<compile_context>
chip_gen: v7x
topology: tpu7x:2x2x1
jax: 0.10.2.dev20260603
libtpu: 0.0.44.dev20260713+nightly
codegen_flags: <defaults>
</compile_context>

<pallas_src>
import jax
import jax.numpy as jnp
from jax import lax
from jax.experimental import pallas as pl
from jax.experimental.pallas import tpu as pltpu
from jax.experimental.pallas import tpu_sc as plsc

VOCAB = 100000
DIM = 8
KS = 256
SUBDIM = 16
ORIG = DIM * SUBDIM

BATCH = 4096
HIST = 50
NC, NS, LANES = 2, 16, 16
NW = NC * NS
N_TOK = BATCH * HIST
C = 128
PAIRS = HIST // 2
VSHARD = VOCAB // NS


def _pq_decode_body(idx_hbm, indexes_hbm, vectors_hbm, out_hbm,
                    idx0, idx1, codes0, codes1, flat0, flat1, out0, out1,
                    ish0, ish1, ish2, ish3, ish4, ish5, ish6, ish7,
                    vec_sh,
                    sema0, sema1, semb0, semb1, semd0, semd1, seme0, seme1):
    sid = lax.axis_index("s")
    wid = sid * NC + lax.axis_index("c")
    base = wid * C
    idx_v = (idx0, idx1)
    codes_v = (codes0, codes1)
    flat_v = (flat0, flat1)
    out_v = (out0, out1)
    idx_sh = (ish0, ish1, ish2, ish3, ish4, ish5, ish6, ish7)
    sema = (sema0, sema1)
    semb = (semb0, semb1)
    semd = (semd0, semd1)
    seme = (seme0, seme1)

    for d in range(DIM):
        for h2 in range(2):
            @pl.when(sid == 2 * d + h2)
            def _():
                pltpu.sync_copy(
                    indexes_hbm.at[d, pl.ds(h2 * (VOCAB // 2), VOCAB // 2)],
                    idx_sh[d].at[pl.ds(h2 * (VOCAB // 2), VOCAB // 2)])
    vrows = (DIM * KS) // NS
    pltpu.sync_copy(vectors_hbm.at[pl.ds(sid * vrows, vrows)],
                    vec_sh.at[pl.ds(sid * vrows, vrows)])
    plsc.subcore_barrier()

    iot = lax.broadcasted_iota(jnp.int32, (16,), 0)
    row_pat = iot >> 3
    col_pat = iot & 7
    off_pat = col_pat << 8

    def fire_a(t0, b):
        pltpu.async_copy(idx_hbm.at[pl.ds(t0, C)], idx_v[b], sema[b])

    def fire_b(b):
        pltpu.make_async_copy(
            idx_hbm.at[pl.ds(0, C)], idx_v[b], sema[b]).wait()
        for d in range(DIM):
            pltpu.async_copy(
                idx_sh[d].at[idx_v[b]], codes_v[b].at[d], semb[b])

    def wait_b(b):
        for d in range(DIM):
            pltpu.make_async_copy(
                idx_sh[d].at[idx_v[b]], codes_v[b].at[d], semb[b]).wait()

    def build_flat(b):
        @pl.loop(0, C // 2, step=2)
        def _grp(g):
            c0 = plsc.load_gather(codes_v[b], [col_pat, row_pat + 2 * g])
            c1 = plsc.load_gather(codes_v[b], [col_pat, row_pat + 2 * g + 2])
            flat_v[b][pl.ds(16 * g, 16)] = c0 + off_pat
            flat_v[b][pl.ds(16 * g + 16, 16)] = c1 + off_pat

    def fire_d(b):
        for j in range(DIM):
            pltpu.async_copy(
                vec_sh.at[flat_v[b].at[pl.ds(128 * j, 128)]],
                out_v[b].at[pl.ds(128 * j, 128)], semd[b])

    def wait_d(b):
        pltpu.make_async_copy(
            vec_sh.at[flat_v[b]], out_v[b], semd[b]).wait()

    def fire_e(t0, b):
        pltpu.async_copy(
            out_v[b], out_hbm.at[pl.ds(t0 * DIM, C * DIM)], seme[b])

    def wait_e(b):
        pltpu.make_async_copy(
            out_v[b], out_hbm.at[pl.ds(0, C * DIM)], seme[b]).wait()

    fire_a(base, 0)
    fire_a(base + BATCH, 1)
    fire_b(0)
    fire_b(1)

    @pl.loop(0, PAIRS)
    def _pair(g):
        t0 = (2 * g) * BATCH + base
        t1 = t0 + BATCH

        wait_b(0)
        @pl.when(g < PAIRS - 1)
        def _():
            fire_a(t0 + 2 * BATCH, 0)
        build_flat(0)

        @pl.when(g > 0)
        def _():
            wait_e(0)
        fire_d(0)

        wait_b(1)

        @pl.when(g < PAIRS - 1)
        def _():
            fire_a(t0 + 3 * BATCH, 1)
        build_flat(1)

        @pl.when(g > 0)
        def _():
            wait_e(1)
        fire_d(1)

        @pl.when(g < PAIRS - 1)
        def _():
            fire_b(0)
            fire_b(1)

        wait_d(0)
        fire_e(t0, 0)
        wait_d(1)
        fire_e(t1, 1)

    wait_e(0)
    wait_e(1)


def kernel(idx, indexes, vectors, dims):
    del dims
    idx_t = jnp.swapaxes(idx, 0, 1).reshape(-1)
    indexes_t = jnp.swapaxes(indexes, 0, 1)
    vec_flat = vectors.reshape(DIM * KS, SUBDIM)
    mesh = plsc.VectorSubcoreMesh(core_axis_name="c", subcore_axis_name="s")
    cp = pltpu.CompilerParams(
        needs_layout_passes=False, use_tc_tiling_on_sc=False)
    decode = pl.kernel(
        _pq_decode_body,
        out_type=jax.ShapeDtypeStruct((N_TOK * DIM, SUBDIM), jnp.float32),
        mesh=mesh,
        scratch_types=[
            pltpu.VMEM((C,), jnp.int32),
            pltpu.VMEM((C,), jnp.int32),
            pltpu.VMEM((DIM, C), jnp.int32),
            pltpu.VMEM((DIM, C), jnp.int32),
            pltpu.VMEM((C * DIM,), jnp.int32),
            pltpu.VMEM((C * DIM,), jnp.int32),
            pltpu.VMEM((C * DIM, SUBDIM), jnp.float32),
            pltpu.VMEM((C * DIM, SUBDIM), jnp.float32),
        ] + [pltpu.VMEM_SHARED((VOCAB,), jnp.int32)] * DIM + [
            pltpu.VMEM_SHARED((DIM * KS, SUBDIM), jnp.float32),
            pltpu.SemaphoreType.DMA,
            pltpu.SemaphoreType.DMA,
            pltpu.SemaphoreType.DMA,
            pltpu.SemaphoreType.DMA,
            pltpu.SemaphoreType.DMA,
            pltpu.SemaphoreType.DMA,
            pltpu.SemaphoreType.DMA,
            pltpu.SemaphoreType.DMA,
        ],
        compiler_params=cp,
    )
    out = decode(idx_t, indexes_t, vec_flat)
    out = out.reshape(HIST, BATCH, ORIG)
    return jnp.swapaxes(out, 0, 1)

# --- scband reference (transcript-rebuilt; emitter-appended) ---
"""Pipeline reference for scband-pqembedding-9552007266386 (READ-ONLY COPY).

The authoritative reference and input builder live on the scoring server;
editing this copy changes nothing except your own understanding.
"""

import jax, jax.numpy as jnp
import numpy as np

VOCAB = 100000
DIM = 8        # num PQ subspaces
KS = 256       # codewords per subspace
ORIG = 128     # original embedding dim
SUBDIM = ORIG // DIM  # 16
BATCH, HIST = 4096, 50


def setup_inputs(seed: int = 0) -> dict:
    key = jax.random.key(seed)
    k1, k2, k3 = jax.random.split(key, 3)
    # forward arg
    idx = jax.random.randint(k1, (BATCH, HIST), 0, VOCAB, dtype=jnp.int32)
    # buffers created in __init__ (PQ encoder fit result), materialized directly
    indexes = jax.random.randint(k2, (VOCAB, DIM), 0, KS, dtype=jnp.int32)
    vectors = jax.random.normal(k3, (DIM, KS, SUBDIM), dtype=jnp.float32)
    dims = jnp.arange(DIM, dtype=jnp.int32)
    return {"idx": idx, "indexes": indexes, "vectors": vectors, "dims": dims}


def reference(idx, indexes, vectors, dims):
    # embeddings = vectors[dims, indexes[idx.flatten()]]
    idx_flat = idx.reshape(-1)                      # [N]
    codes = jnp.take(indexes, idx_flat, axis=0)     # [N, DIM] gather of PQ codes
    # advanced indexing: dims [DIM] broadcasts against codes [N, DIM]
    emb = vectors[dims, codes]                      # [N, DIM, SUBDIM]
    emb = emb.reshape(idx.shape + (ORIG,))          # [BATCH, HIST, ORIG]
    return emb

if __name__ == "__main__":
    import jax
    _d = setup_inputs()
    print(jax.jit(kernel)(*tuple(_d.values())))

</pallas_src>

<mosaic_0001>
#map = affine_map<(d0, d1) -> (0)>
#map1 = affine_map<(d0, d1) -> (0, 0)>
module attributes {stable_mosaic.version = 14 : i64} {
  func.func @_pq_decode_body(%arg0: i32, %arg1: i32, %arg2: memref<204800xi32, #tpu.memory_space<hbm>>, %arg3: memref<8x100000xi32, #tpu.memory_space<hbm>>, %arg4: memref<2048x16xf32, #tpu.memory_space<hbm>>, %arg5: memref<1638400x16xf32, #tpu.memory_space<hbm>>, %arg6: memref<128xi32, #tpu.memory_space<vmem>>, %arg7: memref<128xi32, #tpu.memory_space<vmem>>, %arg8: memref<8x128xi32, #tpu.memory_space<vmem>>, %arg9: memref<8x128xi32, #tpu.memory_space<vmem>>, %arg10: memref<1024xi32, #tpu.memory_space<vmem>>, %arg11: memref<1024xi32, #tpu.memory_space<vmem>>, %arg12: memref<1024x16xf32, #tpu.memory_space<vmem>>, %arg13: memref<1024x16xf32, #tpu.memory_space<vmem>>, %arg14: memref<100000xi32, #tpu.memory_space<vmem_shared>>, %arg15: memref<100000xi32, #tpu.memory_space<vmem_shared>>, %arg16: memref<100000xi32, #tpu.memory_space<vmem_shared>>, %arg17: memref<100000xi32, #tpu.memory_space<vmem_shared>>, %arg18: memref<100000xi32, #tpu.memory_space<vmem_shared>>, %arg19: memref<100000xi32, #tpu.memory_space<vmem_shared>>, %arg20: memref<100000xi32, #tpu.memory_space<vmem_shared>>, %arg21: memref<100000xi32, #tpu.memory_space<vmem_shared>>, %arg22: memref<2048x16xf32, #tpu.memory_space<vmem_shared>>, %arg23: memref<!tpu.dma_semaphore, #tpu.memory_space<semaphore_mem>>, %arg24: memref<!tpu.dma_semaphore, #tpu.memory_space<semaphore_mem>>, %arg25: memref<!tpu.dma_semaphore, #tpu.memory_space<semaphore_mem>>, %arg26: memref<!tpu.dma_semaphore, #tpu.memory_space<semaphore_mem>>, %arg27: memref<!tpu.dma_semaphore, #tpu.memory_space<semaphore_mem>>, %arg28: memref<!tpu.dma_semaphore, #tpu.memory_space<semaphore_mem>>, %arg29: memref<!tpu.dma_semaphore, #tpu.memory_space<semaphore_mem>>, %arg30: memref<!tpu.dma_semaphore, #tpu.memory_space<semaphore_mem>>) attributes {dimension_semantics = [#tpu.dimension_semantics<core_parallel>, #tpu.dimension_semantics<subcore_parallel>], iteration_bounds = array<i64: 2, 16>, scalar_prefetch = 0 : i64, scratch_operands = 25 : i64, tpu.core_type = #tpu.core_type<sc_vector_subcore>, window_params = [{transform_indices = #map}, {transform_indices = #map1}, {transform_indices = #map1}, {transform_indices = #map1}]} {
    %mul3A = arith.constant 2 : i32
    %mul3A_0 = arith.muli %arg1, %mul3A : i32
    %add3A = arith.addi %mul3A_0, %arg0 : i32
    %mul3A_1 = arith.constant 128 : i32
    %mul3A_2 = arith.muli %add3A, %mul3A_1 : i32
    %eq3A = arith.constant 0 : i32
    %eq3A_3 = arith.cmpi eq, %arg1, %eq3A : i32
    %convert_element_type3A = arith.extui %eq3A_3 : i1 to i32
    %cond3A = arith.constant 0 : i32
    %cond3A_4 = arith.cmpi ne, %convert_element_type3A, %cond3A : i32
    scf.if %cond3A_4 {
      %run_scoped3A = arith.constant 0 : i32
      "tpu.region"() ({
        %run_scoped3A_214 = tpu.sem_alloc : memref<!tpu.dma_semaphore, #tpu.memory_space<semaphore_mem>>
        %dma_start3A_215 = arith.constant 0 : i32
        %dma_start3A_216 = tpu.memref_slice %arg14[%dma_start3A_215] : memref<100000xi32, #tpu.memory_space<vmem_shared>> -> memref<50000xi32, #tpu.memory_space<vmem_shared>>
        %dma_start3A_217 = arith.constant 0 : i32
        %dma_start3A_218 = tpu.memref_slice %arg3[%run_scoped3A, %dma_start3A_217] : memref<8x100000xi32, #tpu.memory_space<hbm>> -> memref<1x50000xi32, #tpu.memory_space<hbm>>
        %dma_start3A_219 = tpu.memref_squeeze %dma_start3A_218 : memref<1x50000xi32, #tpu.memory_space<hbm>> -> memref<50000xi32, #tpu.memory_space<hbm>>
        tpu.enqueue_dma source(%dma_start3A_219 : memref<50000xi32, #tpu.memory_space<hbm>>) target(%dma_start3A_216 : memref<50000xi32, #tpu.memory_space<vmem_shared>>) target_semaphore(%run_scoped3A_214 : memref<!tpu.dma_semaphore, #tpu.memory_space<semaphore_mem>>)
        %dma_wait3A_220 = arith.constant 0 : i32
        %dma_wait3A_221 = tpu.memref_slice %arg14[%dma_wait3A_220] : memref<100000xi32, #tpu.memory_space<vmem_shared>> -> memref<50000xi32, #tpu.memory_space<vmem_shared>>
        %dma_wait3A_222 = arith.constant 0 : i32
        %dma_wait3A_223 = tpu.memref_slice %arg3[%run_scoped3A, %dma_wait3A_222] : memref<8x100000xi32, #tpu.memory_space<hbm>> -> memref<1x50000xi32, #tpu.memory_space<hbm>>
        %dma_wait3A_224 = tpu.memref_squeeze %dma_wait3A_223 : memref<1x50000xi32, #tpu.memory_space<hbm>> -> memref<50000xi32, #tpu.memory_space<hbm>>
        tpu.wait_dma2 semaphore(%run_scoped3A_214 : memref<!tpu.dma_semaphore, #tpu.memory_space<semaphore_mem>>) src(%dma_wait3A_224 : memref<50000xi32, #tpu.memory_space<hbm>>) dst(%dma_wait3A_221 : memref<50000xi32, #tpu.memory_space<vmem_shared>>)
        tpu.yield
      }) : () -> ()
    } else {
    }
    %eq3A_5 = arith.constant 1 : i32
    %eq3A_6 = arith.cmpi eq, %arg1, %eq3A_5 : i32
    %convert_element_type3A_7 = arith.extui %eq3A_6 : i1 to i32
    %cond3A_8 = arith.constant 0 : i32
    %cond3A_9 = arith.cmpi ne, %convert_element_type3A_7, %cond3A_8 : i32
    scf.if %cond3A_9 {
      %run_scoped3A = arith.constant 0 : i32
      "tpu.region"() ({
        %run_scoped3A_214 = tpu.sem_alloc : memref<!tpu.dma_semaphore, #tpu.memory_space<semaphore_mem>>
        %dma_start3A_215 = arith.constant 50000 : i32
        %dma_start3A_216 = tpu.memref_slice %arg14[%dma_start3A_215] : memref<100000xi32, #tpu.memory_space<vmem_shared>> -> memref<50000xi32, #tpu.memory_space<vmem_shared>>
        %dma_start3A_217 = arith.constant 50000 : i32
        %dma_start3A_218 = tpu.memref_slice %arg3[%run_scoped3A, %dma_start3A_217] : memref<8x100000xi32, #tpu.memory_space<hbm>> -> memref<1x50000xi32, #tpu.memory_space<hbm>>
        %dma_start3A_219 = tpu.memref_squeeze %dma_start3A_218 : memref<1x50000xi32, #tpu.memory_space<hbm>> -> memref<50000xi32, #tpu.memory_space<hbm>>
        tpu.enqueue_dma source(%dma_start3A_219 : memref<50000xi32, #tpu.memory_space<hbm>>) target(%dma_start3A_216 : memref<50000xi32, #tpu.memory_space<vmem_shared>>) target_semaphore(%run_scoped3A_214 : memref<!tpu.dma_semaphore, #tpu.memory_space<semaphore_mem>>)
        %dma_wait3A_220 = arith.constant 50000 : i32
        %dma_wait3A_221 = tpu.memref_slice %arg14[%dma_wait3A_220] : memref<100000xi32, #tpu.memory_space<vmem_shared>> -> memref<50000xi32, #tpu.memory_space<vmem_shared>>
        %dma_wait3A_222 = arith.constant 50000 : i32
        %dma_wait3A_223 = tpu.memref_slice %arg3[%run_scoped3A, %dma_wait3A_222] : memref<8x100000xi32, #tpu.memory_space<hbm>> -> memref<1x50000xi32, #tpu.memory_space<hbm>>
        %dma_wait3A_224 = tpu.memref_squeeze %dma_wait3A_223 : memref<1x50000xi32, #tpu.memory_space<hbm>> -> memref<50000xi32, #tpu.memory_space<hbm>>
        tpu.wait_dma2 semaphore(%run_scoped3A_214 : memref<!tpu.dma_semaphore, #tpu.memory_space<semaphore_mem>>) src(%dma_wait3A_224 : memref<50000xi32, #tpu.memory_space<hbm>>) dst(%dma_wait3A_221 : memref<50000xi32, #tpu.memory_space<vmem_shared>>)
        tpu.yield
      }) : () -> ()
    } else {
    }
    %eq3A_10 = arith.constant 2 : i32
    %eq3A_11 = arith.cmpi eq, %arg1, %eq3A_10 : i32
    %convert_element_type3A_12 = arith.extui %eq3A_11 : i1 to i32
    %cond3A_13 = arith.constant 0 : i32
    %cond3A_14 = arith.cmpi ne, %convert_element_type3A_12, %cond3A_13 : i32
    scf.if %cond3A_14 {
      %run_scoped3A = arith.constant 1 : i32
      "tpu.region"() ({
        %run_scoped3A_214 = tpu.sem_alloc : memref<!tpu.dma_semaphore, #tpu.memory_space<semaphore_mem>>
        %dma_start3A_215 = arith.constant 0 : i32
        %dma_start3A_216 = tpu.memref_slice %arg15[%dma_start3A_215] : memref<100000xi32, #tpu.memory_space<vmem_shared>> -> memref<50000xi32, #tpu.memory_space<vmem_shared>>
        %dma_start3A_217 = arith.constant 0 : i32
        %dma_start3A_218 = tpu.memref_slice %arg3[%run_scoped3A, %dma_start3A_217] : memref<8x100000xi32, #tpu.memory_space<hbm>> -> memref<1x50000xi32, #tpu.memory_space<hbm>>
        %dma_start3A_219 = tpu.memref_squeeze %dma_start3A_218 : memref<1x50000xi32, #tpu.memory_space<hbm>> -> memref<50000xi32, #tpu.memory_space<hbm>>
        tpu.enqueue_dma source(%dma_start3A_219 : memref<50000xi32, #tpu.memory_space<hbm>>) target(%dma_start3A_216 : memref<50000xi32, #tpu.memory_space<vmem_shared>>) target_semaphore(%run_scoped3A_214 : memref<!tpu.dma_semaphore, #tpu.memory_space<semaphore_mem>>)
        %dma_wait3A_220 = arith.constant 0 : i32
        %dma_wait3A_221 = tpu.memref_slice %arg15[%dma_wait3A_220] : memref<100000xi32, #tpu.memory_space<vmem_shared>> -> memref<50000xi32, #tpu.memory_space<vmem_shared>>
        %dma_wait3A_222 = arith.constant 0 : i32
        %dma_wait3A_223 = tpu.memref_slice %arg3[%run_scoped3A, %dma_wait3A_222] : memref<8x100000xi32, #tpu.memory_space<hbm>> -> memref<1x50000xi32, #tpu.memory_space<hbm>>
        %dma_wait3A_224 = tpu.memref_squeeze %dma_wait3A_223 : memref<1x50000xi32, #tpu.memory_space<hbm>> -> memref<50000xi32, #tpu.memory_space<hbm>>
        tpu.wait_dma2 semaphore(%run_scoped3A_214 : memref<!tpu.dma_semaphore, #tpu.memory_space<semaphore_mem>>) src(%dma_wait3A_224 : memref<50000xi32, #tpu.memory_space<hbm>>) dst(%dma_wait3A_221 : memref<50000xi32, #tpu.memory_space<vmem_shared>>)
        tpu.yield
      }) : () -> ()
    } else {
    }
    %eq3A_15 = arith.constant 3 : i32
    %eq3A_16 = arith.cmpi eq, %arg1, %eq3A_15 : i32
    %convert_element_type3A_17 = arith.extui %eq3A_16 : i1 to i32
    %cond3A_18 = arith.constant 0 : i32
    %cond3A_19 = arith.cmpi ne, %convert_element_type3A_17, %cond3A_18 : i32
    scf.if %cond3A_19 {
      %run_scoped3A = arith.constant 1 : i32
      "tpu.region"() ({
        %run_scoped3A_214 = tpu.sem_alloc : memref<!tpu.dma_semaphore, #tpu.memory_space<semaphore_mem>>
        %dma_start3A_215 = arith.constant 50000 : i32
        %dma_start3A_216 = tpu.memref_slice %arg15[%dma_start3A_215] : memref<100000xi32, #tpu.memory_space<vmem_shared>> -> memref<50000xi32, #tpu.memory_space<vmem_shared>>
        %dma_start3A_217 = arith.constant 50000 : i32
        %dma_start3A_218 = tpu.memref_slice %arg3[%run_scoped3A, %dma_start3A_217] : memref<8x100000xi32, #tpu.memory_space<hbm>> -> memref<1x50000xi32, #tpu.memory_space<hbm>>
        %dma_start3A_219 = tpu.memref_squeeze %dma_start3A_218 : memref<1x50000xi32, #tpu.memory_space<hbm>> -> memref<50000xi32, #tpu.memory_space<hbm>>
        tpu.enqueue_dma source(%dma_start3A_219 : memref<50000xi32, #tpu.memory_space<hbm>>) target(%dma_start3A_216 : memref<50000xi32, #tpu.memory_space<vmem_shared>>) target_semaphore(%run_scoped3A_214 : memref<!tpu.dma_semaphore, #tpu.memory_space<semaphore_mem>>)
        %dma_wait3A_220 = arith.constant 50000 : i32
        %dma_wait3A_221 = tpu.memref_slice %arg15[%dma_wait3A_220] : memref<100000xi32, #tpu.memory_space<vmem_shared>> -> memref<50000xi32, #tpu.memory_space<vmem_shared>>
        %dma_wait3A_222 = arith.constant 50000 : i32
        %dma_wait3A_223 = tpu.memref_slice %arg3[%run_scoped3A, %dma_wait3A_222] : memref<8x100000xi32, #tpu.memory_space<hbm>> -> memref<1x50000xi32, #tpu.memory_space<hbm>>
        %dma_wait3A_224 = tpu.memref_squeeze %dma_wait3A_223 : memref<1x50000xi32, #tpu.memory_space<hbm>> -> memref<50000xi32, #tpu.memory_space<hbm>>
        tpu.wait_dma2 semaphore(%run_scoped3A_214 : memref<!tpu.dma_semaphore, #tpu.memory_space<semaphore_mem>>) src(%dma_wait3A_224 : memref<50000xi32, #tpu.memory_space<hbm>>) dst(%dma_wait3A_221 : memref<50000xi32, #tpu.memory_space<vmem_shared>>)
        tpu.yield
      }) : () -> ()
    } else {
    }
    %eq3A_20 = arith.constant 4 : i32
    %eq3A_21 = arith.cmpi eq, %arg1, %eq3A_20 : i32
    %convert_element_type3A_22 = arith.extui %eq3A_21 : i1 to i32
    %cond3A_23 = arith.constant 0 : i32
    %cond3A_24 = arith.cmpi ne, %convert_element_type3A_22, %cond3A_23 : i32
    scf.if %cond3A_24 {
      %run_scoped3A = arith.constant 2 : i32
      "tpu.region"() ({
        %run_scoped3A_214 = tpu.sem_alloc : memref<!tpu.dma_semaphore, #tpu.memory_space<semaphore_mem>>
        %dma_start3A_215 = arith.constant 0 : i32
        %dma_start3A_216 = tpu.memref_slice %arg16[%dma_start3A_215] : memref<100000xi32, #tpu.memory_space<vmem_shared>> -> memref<50000xi32, #tpu.memory_space<vmem_shared>>
        %dma_start3A_217 = arith.constant 0 : i32
        %dma_start3A_218 = tpu.memref_slice %arg3[%run_scoped3A, %dma_start3A_217] : memref<8x100000xi32, #tpu.memory_space<hbm>> -> memref<1x50000xi32, #tpu.memory_space<hbm>>
        %dma_start3A_219 = tpu.memref_squeeze %dma_start3A_218 : memref<1x50000xi32, #tpu.memory_space<hbm>> -> memref<50000xi32, #tpu.memory_space<hbm>>
        tpu.enqueue_dma source(%dma_start3A_219 : memref<50000xi32, #tpu.memory_space<hbm>>) target(%dma_start3A_216 : memref<50000xi32, #tpu.memory_space<vmem_shared>>) target_semaphore(%run_scoped3A_214 : memref<!tpu.dma_semaphore, #tpu.memory_space<semaphore_mem>>)
        %dma_wait3A_220 = arith.constant 0 : i32
        %dma_wait3A_221 = tpu.memref_slice %arg16[%dma_wait3A_220] : memref<100000xi32, #tpu.memory_space<vmem_shared>> -> memref<50000xi32, #tpu.memory_space<vmem_shared>>
        %dma_wait3A_222 = arith.constant 0 : i32
        %dma_wait3A_223 = tpu.memref_slice %arg3[%run_scoped3A, %dma_wait3A_222] : memref<8x100000xi32, #tpu.memory_space<hbm>> -> memref<1x50000xi32, #tpu.memory_space<hbm>>
        %dma_wait3A_224 = tpu.memref_squeeze %dma_wait3A_223 : memref<1x50000xi32, #tpu.memory_space<hbm>> -> memref<50000xi32, #tpu.memory_space<hbm>>
        tpu.wait_dma2 semaphore(%run_scoped3A_214 : memref<!tpu.dma_semaphore, #tpu.memory_space<semaphore_mem>>) src(%dma_wait3A_224 : memref<50000xi32, #tpu.memory_space<hbm>>) dst(%dma_wait3A_221 : memref<50000xi32, #tpu.memory_space<vmem_shared>>)
        tpu.yield
      }) : () -> ()
    } else {
    }
    %eq3A_25 = arith.constant 5 : i32
    %eq3A_26 = arith.cmpi eq, %arg1, %eq3A_25 : i32
    %convert_element_type3A_27 = arith.extui %eq3A_26 : i1 to i32
    %cond3A_28 = arith.constant 0 : i32
    %cond3A_29 = arith.cmpi ne, %convert_element_type3A_27, %cond3A_28 : i32
    scf.if %cond3A_29 {
      %run_scoped3A = arith.constant 2 : i32
      "tpu.region"() ({
        %run_scoped3A_214 = tpu.sem_alloc : memref<!tpu.dma_semaphore, #tpu.memory_space<semaphore_mem>>
        %dma_start3A_215 = arith.constant 50000 : i32
        %dma_start3A_216 = tpu.memref_slice %arg16[%dma_start3A_215] : memref<100000xi32, #tpu.memory_space<vmem_shared>> -> memref<50000xi32, #tpu.memory_space<vmem_shared>>
        %dma_start3A_217 = arith.constant 50000 : i32
        %dma_start3A_218 = tpu.memref_slice %arg3[%run_scoped3A, %dma_start3A_217] : memref<8x100000xi32, #tpu.memory_space<hbm>> -> memref<1x50000xi32, #tpu.memory_space<hbm>>
        %dma_start3A_219 = tpu.memref_squeeze %dma_start3A_218 : memref<1x50000xi32, #tpu.memory_space<hbm>> -> memref<50000xi32, #tpu.memory_space<hbm>>
        tpu.enqueue_dma source(%dma_start3A_219 : memref<50000xi32, #tpu.memory_space<hbm>>) target(%dma_start3A_216 : memref<50000xi32, #tpu.memory_space<vmem_shared>>) target_semaphore(%run_scoped3A_214 : memref<!tpu.dma_semaphore, #tpu.memory_space<semaphore_mem>>)
        %dma_wait3A_220 = arith.constant 50000 : i32
        %dma_wait3A_221 = tpu.memref_slice %arg16[%dma_wait3A_220] : memref<100000xi32, #tpu.memory_space<vmem_shared>> -> memref<50000xi32, #tpu.memory_space<vmem_shared>>
        %dma_wait3A_222 = arith.constant 50000 : i32
        %dma_wait3A_223 = tpu.memref_slice %arg3[%run_scoped3A, %dma_wait3A_222] : memref<8x100000xi32, #tpu.memory_space<hbm>> -> memref<1x50000xi32, #tpu.memory_space<hbm>>
        %dma_wait3A_224 = tpu.memref_squeeze %dma_wait3A_223 : memref<1x50000xi32, #tpu.memory_space<hbm>> -> memref<50000xi32, #tpu.memory_space<hbm>>
        tpu.wait_dma2 semaphore(%run_scoped3A_214 : memref<!tpu.dma_semaphore, #tpu.memory_space<semaphore_mem>>) src(%dma_wait3A_224 : memref<50000xi32, #tpu.memory_space<hbm>>) dst(%dma_wait3A_221 : memref<50000xi32, #tpu.memory_space<vmem_shared>>)
        tpu.yield
      }) : () -> ()
    } else {
    }
    %eq3A_30 = arith.constant 6 : i32
    %eq3A_31 = arith.cmpi eq, %arg1, %eq3A_30 : i32
    %convert_element_type3A_32 = arith.extui %eq3A_31 : i1 to i32
    %cond3A_33 = arith.constant 0 : i32
    %cond3A_34 = arith.cmpi ne, %convert_element_type3A_32, %cond3A_33 : i32
    scf.if %cond3A_34 {
      %run_scoped3A = arith.constant 3 : i32
      "tpu.region"() ({
        %run_scoped3A_214 = tpu.sem_alloc : memref<!tpu.dma_semaphore, #tpu.memory_space<semaphore_mem>>
        %dma_start3A_215 = arith.constant 0 : i32
        %dma_start3A_216 = tpu.memref_slice %arg17[%dma_start3A_215] : memref<100000xi32, #tpu.memory_space<vmem_shared>> -> memref<50000xi32, #tpu.memory_space<vmem_shared>>
        %dma_start3A_217 = arith.constant 0 : i32
        %dma_start3A_218 = tpu.memref_slice %arg3[%run_scoped3A, %dma_start3A_217] : memref<8x100000xi32, #tpu.memory_space<hbm>> -> memref<1x50000xi32, #tpu.memory_space<hbm>>
        %dma_start3A_219 = tpu.memref_squeeze %dma_start3A_218 : memref<1x50000xi32, #tpu.memory_space<hbm>> -> memref<50000xi32, #tpu.memory_space<hbm>>
        tpu.enqueue_dma source(%dma_start3A_219 : memref<50000xi32, #tpu.memory_space<hbm>>) target(%dma_start3A_216 : memref<50000xi32, #tpu.memory_space<vmem_shared>>) target_semaphore(%run_scoped3A_214 : memref<!tpu.dma_semaphore, #tpu.memory_space<semaphore_mem>>)
        %dma_wait3A_220 = arith.constant 0 : i32
        %dma_wait3A_221 = tpu.memref_slice %arg17[%dma_wait3A_220] : memref<100000xi32, #tpu.memory_space<vmem_shared>> -> memref<50000xi32, #tpu.memory_space<vmem_shared>>
        %dma_wait3A_222 = arith.constant 0 : i32
        %dma_wait3A_223 = tpu.memref_slice %arg3[%run_scoped3A, %dma_wait3A_222] : memref<8x100000xi32, #tpu.memory_space<hbm>> -> memref<1x50000xi32, #tpu.memory_space<hbm>>
        %dma_wait3A_224 = tpu.memref_squeeze %dma_wait3A_223 : memref<1x50000xi32, #tpu.memory_space<hbm>> -> memref<50000xi32, #tpu.memory_space<hbm>>
        tpu.wait_dma2 semaphore(%run_scoped3A_214 : memref<!tpu.dma_semaphore, #tpu.memory_space<semaphore_mem>>) src(%dma_wait3A_224 : memref<50000xi32, #tpu.memory_space<hbm>>) dst(%dma_wait3A_221 : memref<50000xi32, #tpu.memory_space<vmem_shared>>)
        tpu.yield
      }) : () -> ()
    } else {
    }
    %eq3A_35 = arith.constant 7 : i32
    %eq3A_36 = arith.cmpi eq, %arg1, %eq3A_35 : i32
    %convert_element_type3A_37 = arith.extui %eq3A_36 : i1 to i32
    %cond3A_38 = arith.constant 0 : i32
    %cond3A_39 = arith.cmpi ne, %convert_element_type3A_37, %cond3A_38 : i32
    scf.if %cond3A_39 {
      %run_scoped3A = arith.constant 3 : i32
      "tpu.region"() ({
        %run_scoped3A_214 = tpu.sem_alloc : memref<!tpu.dma_semaphore, #tpu.memory_space<semaphore_mem>>
        %dma_start3A_215 = arith.constant 50000 : i32
        %dma_start3A_216 = tpu.memref_slice %arg17[%dma_start3A_215] : memref<100000xi32, #tpu.memory_space<vmem_shared>> -> memref<50000xi32, #tpu.memory_space<vmem_shared>>
        %dma_start3A_217 = arith.constant 50000 : i32
        %dma_start3A_218 = tpu.memref_slice %arg3[%run_scoped3A, %dma_start3A_217] : memref<8x100000xi32, #tpu.memory_space<hbm>> -> memref<1x50000xi32, #tpu.memory_space<hbm>>
        %dma_start3A_219 = tpu.memref_squeeze %dma_start3A_218 : memref<1x50000xi32, #tpu.memory_space<hbm>> -> memref<50000xi32, #tpu.memory_space<hbm>>
        tpu.enqueue_dma source(%dma_start3A_219 : memref<50000xi32, #tpu.memory_space<hbm>>) target(%dma_start3A_216 : memref<50000xi32, #tpu.memory_space<vmem_shared>>) target_semaphore(%run_scoped3A_214 : memref<!tpu.dma_semaphore, #tpu.memory_space<semaphore_mem>>)
        %dma_wait3A_220 = arith.constant 50000 : i32
        %dma_wait3A_221 = tpu.memref_slice %arg17[%dma_wait3A_220] : memref<100000xi32, #tpu.memory_space<vmem_shared>> -> memref<50000xi32, #tpu.memory_space<vmem_shared>>
        %dma_wait3A_222 = arith.constant 50000 : i32
        %dma_wait3A_223 = tpu.memref_slice %arg3[%run_scoped3A, %dma_wait3A_222] : memref<8x100000xi32, #tpu.memory_space<hbm>> -> memref<1x50000xi32, #tpu.memory_space<hbm>>
        %dma_wait3A_224 = tpu.memref_squeeze %dma_wait3A_223 : memref<1x50000xi32, #tpu.memory_space<hbm>> -> memref<50000xi32, #tpu.memory_space<hbm>>
        tpu.wait_dma2 semaphore(%run_scoped3A_214 : memref<!tpu.dma_semaphore, #tpu.memory_space<semaphore_mem>>) src(%dma_wait3A_224 : memref<50000xi32, #tpu.memory_space<hbm>>) dst(%dma_wait3A_221 : memref<50000xi32, #tpu.memory_space<vmem_shared>>)
        tpu.yield
      }) : () -> ()
    } else {
    }
    %eq3A_40 = arith.constant 8 : i32
    %eq3A_41 = arith.cmpi eq, %arg1, %eq3A_40 : i32
    %convert_element_type3A_42 = arith.extui %eq3A_41 : i1 to i32
    %cond3A_43 = arith.constant 0 : i32
    %cond3A_44 = arith.cmpi ne, %convert_element_type3A_42, %cond3A_43 : i32
    scf.if %cond3A_44 {
      %run_scoped3A = arith.constant 4 : i32
      "tpu.region"() ({
        %run_scoped3A_214 = tpu.sem_alloc : memref<!tpu.dma_semaphore, #tpu.memory_space<semaphore_mem>>
        %dma_start3A_215 = arith.constant 0 : i32
        %dma_start3A_216 = tpu.memref_slice %arg18[%dma_start3A_215] : memref<100000xi32, #tpu.memory_space<vmem_shared>> -> memref<50000xi32, #tpu.memory_space<vmem_shared>>
        %dma_start3A_217 = arith.constant 0 : i32
        %dma_start3A_218 = tpu.memref_slice %arg3[%run_scoped3A, %dma_start3A_217] : memref<8x100000xi32, #tpu.memory_space<hbm>> -> memref<1x50000xi32, #tpu.memory_space<hbm>>
        %dma_start3A_219 = tpu.memref_squeeze %dma_start3A_218 : memref<1x50000xi32, #tpu.memory_space<hbm>> -> memref<50000xi32, #tpu.memory_space<hbm>>
        tpu.enqueue_dma source(%dma_start3A_219 : memref<50000xi32, #tpu.memory_space<hbm>>) target(%dma_start3A_216 : memref<50000xi32, #tpu.memory_space<vmem_shared>>) target_semaphore(%run_scoped3A_214 : memref<!tpu.dma_semaphore, #tpu.memory_space<semaphore_mem>>)
        %dma_wait3A_220 = arith.constant 0 : i32
        %dma_wait3A_221 = tpu.memref_slice %arg18[%dma_wait3A_220] : memref<100000xi32, #tpu.memory_space<vmem_shared>> -> memref<50000xi32, #tpu.memory_space<vmem_shared>>
        %dma_wait3A_222 = arith.constant 0 : i32
        %dma_wait3A_223 = tpu.memref_slice %arg3[%run_scoped3A, %dma_wait3A_222] : memref<8x100000xi32, #tpu.memory_space<hbm>> -> memref<1x50000xi32, #tpu.memory_space<hbm>>
        %dma_wait3A_224 = tpu.memref_squeeze %dma_wait3A_223 : memref<1x50000xi32, #tpu.memory_space<hbm>> -> memref<50000xi32, #tpu.memory_space<hbm>>
        tpu.wait_dma2 semaphore(%run_scoped3A_214 : memref<!tpu.dma_semaphore, #tpu.memory_space<semaphore_mem>>) src(%dma_wait3A_224 : memref<50000xi32, #tpu.memory_space<hbm>>) dst(%dma_wait3A_221 : memref<50000xi32, #tpu.memory_space<vmem_shared>>)
        tpu.yield
      }) : () -> ()
    } else {
    }
    %eq3A_45 = arith.constant 9 : i32
    %eq3A_46 = arith.cmpi eq, %arg1, %eq3A_45 : i32
    %convert_element_type3A_47 = arith.extui %eq3A_46 : i1 to i32
    %cond3A_48 = arith.constant 0 : i32
    %cond3A_49 = arith.cmpi ne, %convert_element_type3A_47, %cond3A_48 : i32
    scf.if %cond3A_49 {
      %run_scoped3A = arith.constant 4 : i32
      "tpu.region"() ({
        %run_scoped3A_214 = tpu.sem_alloc : memref<!tpu.dma_semaphore, #tpu.memory_space<semaphore_mem>>
        %dma_start3A_215 = arith.constant 50000 : i32
        %dma_start3A_216 = tpu.memref_slice %arg18[%dma_start3A_215] : memref<100000xi32, #tpu.memory_space<vmem_shared>> -> memref<50000xi32, #tpu.memory_space<vmem_shared>>
        %dma_start3A_217 = arith.constant 50000 : i32
        %dma_start3A_218 = tpu.memref_slice %arg3[%run_scoped3A, %dma_start3A_217] : memref<8x100000xi32, #tpu.memory_space<hbm>> -> memref<1x50000xi32, #tpu.memory_space<hbm>>
        %dma_start3A_219 = tpu.memref_squeeze %dma_start3A_218 : memref<1x50000xi32, #tpu.memory_space<hbm>> -> memref<50000xi32, #tpu.memory_space<hbm>>
        tpu.enqueue_dma source(%dma_start3A_219 : memref<50000xi32, #tpu.memory_space<hbm>>) target(%dma_start3A_216 : memref<50000xi32, #tpu.memory_space<vmem_shared>>) target_semaphore(%run_scoped3A_214 : memref<!tpu.dma_semaphore, #tpu.memory_space<semaphore_mem>>)
        %dma_wait3A_220 = arith.constant 50000 : i32
        %dma_wait3A_221 = tpu.memref_slice %arg18[%dma_wait3A_220] : memref<100000xi32, #tpu.memory_space<vmem_shared>> -> memref<50000xi32, #tpu.memory_space<vmem_shared>>
        %dma_wait3A_222 = arith.constant 50000 : i32
        %dma_wait3A_223 = tpu.memref_slice %arg3[%run_scoped3A, %dma_wait3A_222] : memref<8x100000xi32, #tpu.memory_space<hbm>> -> memref<1x50000xi32, #tpu.memory_space<hbm>>
        %dma_wait3A_224 = tpu.memref_squeeze %dma_wait3A_223 : memref<1x50000xi32, #tpu.memory_space<hbm>> -> memref<50000xi32, #tpu.memory_space<hbm>>
        tpu.wait_dma2 semaphore(%run_scoped3A_214 : memref<!tpu.dma_semaphore, #tpu.memory_space<semaphore_mem>>) src(%dma_wait3A_224 : memref<50000xi32, #tpu.memory_space<hbm>>) dst(%dma_wait3A_221 : memref<50000xi32, #tpu.memory_space<vmem_shared>>)
        tpu.yield
      }) : () -> ()
    } else {
    }
    %eq3A_50 = arith.constant 10 : i32
    %eq3A_51 = arith.cmpi eq, %arg1, %eq3A_50 : i32
    %convert_element_type3A_52 = arith.extui %eq3A_51 : i1 to i32
    %cond3A_53 = arith.constant 0 : i32
    %cond3A_54 = arith.cmpi ne, %convert_element_type3A_52, %cond3A_53 : i32
    scf.if %cond3A_54 {
      %run_scoped3A = arith.constant 5 : i32
      "tpu.region"() ({
        %run_scoped3A_214 = tpu.sem_alloc : memref<!tpu.dma_semaphore, #tpu.memory_space<semaphore_mem>>
        %dma_start3A_215 = arith.constant 0 : i32
        %dma_start3A_216 = tpu.memref_slice %arg19[%dma_start3A_215] : memref<100000xi32, #tpu.memory_space<vmem_shared>> -> memref<50000xi32, #tpu.memory_space<vmem_shared>>
        %dma_start3A_217 = arith.constant 0 : i32
        %dma_start3A_218 = tpu.memref_slice %arg3[%run_scoped3A, %dma_start3A_217] : memref<8x100000xi32, #tpu.memory_space<hbm>> -> memref<1x50000xi32, #tpu.memory_space<hbm>>
        %dma_start3A_219 = tpu.memref_squeeze %dma_start3A_218 : memref<1x50000xi32, #tpu.memory_space<hbm>> -> memref<50000xi32, #tpu.memory_space<hbm>>
        tpu.enqueue_dma source(%dma_start3A_219 : memref<50000xi32, #tpu.memory_space<hbm>>) target(%dma_start3A_216 : memref<50000xi32, #tpu.memory_space<vmem_shared>>) target_semaphore(%run_scoped3A_214 : memref<!tpu.dma_semaphore, #tpu.memory_space<semaphore_mem>>)
        %dma_wait3A_220 = arith.constant 0 : i32
        %dma_wait3A_221 = tpu.memref_slice %arg19[%dma_wait3A_220] : memref<100000xi32, #tpu.memory_space<vmem_shared>> -> memref<50000xi32, #tpu.memory_space<vmem_shared>>
        %dma_wait3A_222 = arith.constant 0 : i32
        %dma_wait3A_223 = tpu.memref_slice %arg3[%run_scoped3A, %dma_wait3A_222] : memref<8x100000xi32, #tpu.memory_space<hbm>> -> memref<1x50000xi32, #tpu.memory_space<hbm>>
        %dma_wait3A_224 = tpu.memref_squeeze %dma_wait3A_223 : memref<1x50000xi32, #tpu.memory_space<hbm>> -> memref<50000xi32, #tpu.memory_space<hbm>>
        tpu.wait_dma2 semaphore(%run_scoped3A_214 : memref<!tpu.dma_semaphore, #tpu.memory_space<semaphore_mem>>) src(%dma_wait3A_224 : memref<50000xi32, #tpu.memory_space<hbm>>) dst(%dma_wait3A_221 : memref<50000xi32, #tpu.memory_space<vmem_shared>>)
        tpu.yield
      }) : () -> ()
    } else {
    }
    %eq3A_55 = arith.constant 11 : i32
    %eq3A_56 = arith.cmpi eq, %arg1, %eq3A_55 : i32
    %convert_element_type3A_57 = arith.extui %eq3A_56 : i1 to i32
    %cond3A_58 = arith.constant 0 : i32
    %cond3A_59 = arith.cmpi ne, %convert_element_type3A_57, %cond3A_58 : i32
    scf.if %cond3A_59 {
      %run_scoped3A = arith.constant 5 : i32
      "tpu.region"() ({
        %run_scoped3A_214 = tpu.sem_alloc : memref<!tpu.dma_semaphore, #tpu.memory_space<semaphore_mem>>
        %dma_start3A_215 = arith.constant 50000 : i32
        %dma_start3A_216 = tpu.memref_slice %arg19[%dma_start3A_215] : memref<100000xi32, #tpu.memory_space<vmem_shared>> -> memref<50000xi32, #tpu.memory_space<vmem_shared>>
        %dma_start3A_217 = arith.constant 50000 : i32
        %dma_start3A_218 = tpu.memref_slice %arg3[%run_scoped3A, %dma_start3A_217] : memref<8x100000xi32, #tpu.memory_space<hbm>> -> memref<1x50000xi32, #tpu.memory_space<hbm>>
        %dma_start3A_219 = tpu.memref_squeeze %dma_start3A_218 : memref<1x50000xi32, #tpu.memory_space<hbm>> -> memref<50000xi32, #tpu.memory_space<hbm>>
        tpu.enqueue_dma source(%dma_start3A_219 : memref<50000xi32, #tpu.memory_space<hbm>>) target(%dma_start3A_216 : memref<50000xi32, #tpu.memory_space<vmem_shared>>) target_semaphore(%run_scoped3A_214 : memref<!tpu.dma_semaphore, #tpu.memory_space<semaphore_mem>>)
        %dma_wait3A_220 = arith.constant 50000 : i32
        %dma_wait3A_221 = tpu.memref_slice %arg19[%dma_wait3A_220] : memref<100000xi32, #tpu.memory_space<vmem_shared>> -> memref<50000xi32, #tpu.memory_space<vmem_shared>>
        %dma_wait3A_222 = arith.constant 50000 : i32
        %dma_wait3A_223 = tpu.memref_slice %arg3[%run_scoped3A, %dma_wait3A_222] : memref<8x100000xi32, #tpu.memory_space<hbm>> -> memref<1x50000xi32, #tpu.memory_space<hbm>>
        %dma_wait3A_224 = tpu.memref_squeeze %dma_wait3A_223 : memref<1x50000xi32, #tpu.memory_space<hbm>> -> memref<50000xi32, #tpu.memory_space<hbm>>
        tpu.wait_dma2 semaphore(%run_scoped3A_214 : memref<!tpu.dma_semaphore, #tpu.memory_space<semaphore_mem>>) src(%dma_wait3A_224 : memref<50000xi32, #tpu.memory_space<hbm>>) dst(%dma_wait3A_221 : memref<50000xi32, #tpu.memory_space<vmem_shared>>)
        tpu.yield
      }) : () -> ()
    } else {
    }
    %eq3A_60 = arith.constant 12 : i32
    %eq3A_61 = arith.cmpi eq, %arg1, %eq3A_60 : i32
    %convert_element_type3A_62 = arith.extui %eq3A_61 : i1 to i32
    %cond3A_63 = arith.constant 0 : i32
    %cond3A_64 = arith.cmpi ne, %convert_element_type3A_62, %cond3A_63 : i32
    scf.if %cond3A_64 {
      %run_scoped3A = arith.constant 6 : i32
      "tpu.region"() ({
        %run_scoped3A_214 = tpu.sem_alloc : memref<!tpu.dma_semaphore, #tpu.memory_space<semaphore_mem>>
        %dma_start3A_215 = arith.constant 0 : i32
        %dma_start3A_216 = tpu.memref_slice %arg20[%dma_start3A_215] : memref<100000xi32, #tpu.memory_space<vmem_shared>> -> memref<50000xi32, #tpu.memory_space<vmem_shared>>
        %dma_start3A_217 = arith.constant 0 : i32
        %dma_start3A_218 = tpu.memref_slice %arg3[%run_scoped3A, %dma_start3A_217] : memref<8x100000xi32, #tpu.memory_space<hbm>> -> memref<1x50000xi32, #tpu.memory_space<hbm>>
        %dma_start3A_219 = tpu.memref_squeeze %dma_start3A_218 : memref<1x50000xi32, #tpu.memory_space<hbm>> -> memref<50000xi32, #tpu.memory_space<hbm>>
        tpu.enqueue_dma source(%dma_start3A_219 : memref<50000xi32, #tpu.memory_space<hbm>>) target(%dma_start3A_216 : memref<50000xi32, #tpu.memory_space<vmem_shared>>) target_semaphore(%run_scoped3A_214 : memref<!tpu.dma_semaphore, #tpu.memory_space<semaphore_mem>>)
        %dma_wait3A_220 = arith.constant 0 : i32
        %dma_wait3A_221 = tpu.memref_slice %arg20[%dma_wait3A_220] : memref<100000xi32, #tpu.memory_space<vmem_shared>> -> memref<50000xi32, #tpu.memory_space<vmem_shared>>
        %dma_wait3A_222 = arith.constant 0 : i32
        %dma_wait3A_223 = tpu.memref_slice %arg3[%run_scoped3A, %dma_wait3A_222] : memref<8x100000xi32, #tpu.memory_space<hbm>> -> memref<1x50000xi32, #tpu.memory_space<hbm>>
        %dma_wait3A_224 = tpu.memref_squeeze %dma_wait3A_223 : memref<1x50000xi32, #tpu.memory_space<hbm>> -> memref<50000xi32, #tpu.memory_space<hbm>>
        tpu.wait_dma2 semaphore(%run_scoped3A_214 : memref<!tpu.dma_semaphore, #tpu.memory_space<semaphore_mem>>) src(%dma_wait3A_224 : memref<50000xi32, #tpu.memory_space<hbm>>) dst(%dma_wait3A_221 : memref<50000xi32, #tpu.memory_space<vmem_shared>>)
        tpu.yield
      }) : () -> ()
    } else {
    }
    %eq3A_65 = arith.constant 13 : i32
    %eq3A_66 = arith.cmpi eq, %arg1, %eq3A_65 : i32
    %convert_element_type3A_67 = arith.extui %eq3A_66 : i1 to i32
    %cond3A_68 = arith.constant 0 : i32
    %cond3A_69 = arith.cmpi ne, %convert_element_type3A_67, %cond3A_68 : i32
    scf.if %cond3A_69 {
      %run_scoped3A = arith.constant 6 : i32
      "tpu.region"() ({
        %run_scoped3A_214 = tpu.sem_alloc : memref<!tpu.dma_semaphore, #tpu.memory_space<semaphore_mem>>
        %dma_start3A_215 = arith.constant 50000 : i32
        %dma_start3A_216 = tpu.memref_slice %arg20[%dma_start3A_215] : memref<100000xi32, #tpu.memory_space<vmem_shared>> -> memref<50000xi32, #tpu.memory_space<vmem_shared>>
        %dma_start3A_217 = arith.constant 50000 : i32
        %dma_start3A_218 = tpu.memref_slice %arg3[%run_scoped3A, %dma_start3A_217] : memref<8x100000xi32, #tpu.memory_space<hbm>> -> memref<1x50000xi32, #tpu.memory_space<hbm>>
        %dma_start3A_219 = tpu.memref_squeeze %dma_start3A_218 : memref<1x50000xi32, #tpu.memory_space<hbm>> -> memref<50000xi32, #tpu.memory_space<hbm>>
        tpu.enqueue_dma source(%dma_start3A_219 : memref<50000xi32, #tpu.memory_space<hbm>>) target(%dma_start3A_216 : memref<50000xi32, #tpu.memory_space<vmem_shared>>) target_semaphore(%run_scoped3A_214 : memref<!tpu.dma_semaphore, #tpu.memory_space<semaphore_mem>>)
        %dma_wait3A_220 = arith.constant 50000 : i32
        %dma_wait3A_221 = tpu.memref_slice %arg20[%dma_wait3A_220] : memref<100000xi32, #tpu.memory_space<vmem_shared>> -> memref<50000xi32, #tpu.memory_space<vmem_shared>>
        %dma_wait3A_222 = arith.constant 50000 : i32
        %dma_wait3A_223 = tpu.memref_slice %arg3[%run_scoped3A, %dma_wait3A_222] : memref<8x100000xi32, #tpu.memory_space<hbm>> -> memref<1x50000xi32, #tpu.memory_space<hbm>>
        %dma_wait3A_224 = tpu.memref_squeeze %dma_wait3A_223 : memref<1x50000xi32, #tpu.memory_space<hbm>> -> memref<50000xi32, #tpu.memory_space<hbm>>
        tpu.wait_dma2 semaphore(%run_scoped3A_214 : memref<!tpu.dma_semaphore, #tpu.memory_space<semaphore_mem>>) src(%dma_wait3A_224 : memref<50000xi32, #tpu.memory_space<hbm>>) dst(%dma_wait3A_221 : memref<50000xi32, #tpu.memory_space<vmem_shared>>)
        tpu.yield
      }) : () -> ()
    } else {
    }
    %eq3A_70 = arith.constant 14 : i32
    %eq3A_71 = arith.cmpi eq, %arg1, %eq3A_70 : i32
    %convert_element_type3A_72 = arith.extui %eq3A_71 : i1 to i32
    %cond3A_73 = arith.constant 0 : i32
    %cond3A_74 = arith.cmpi ne, %convert_element_type3A_72, %cond3A_73 : i32
    scf.if %cond3A_74 {
      %run_scoped3A = arith.constant 7 : i32
      "tpu.region"() ({
        %run_scoped3A_214 = tpu.sem_alloc : memref<!tpu.dma_semaphore, #tpu.memory_space<semaphore_mem>>
        %dma_start3A_215 = arith.constant 0 : i32
        %dma_start3A_216 = tpu.memref_slice %arg21[%dma_start3A_215] : memref<100000xi32, #tpu.memory_space<vmem_shared>> -> memref<50000xi32, #tpu.memory_space<vmem_shared>>
        %dma_start3A_217 = arith.constant 0 : i32
        %dma_start3A_218 = tpu.memref_slice %arg3[%run_scoped3A, %dma_start3A_217] : memref<8x100000xi32, #tpu.memory_space<hbm>> -> memref<1x50000xi32, #tpu.memory_space<hbm>>
        %dma_start3A_219 = tpu.memref_squeeze %dma_start3A_218 : memref<1x50000xi32, #tpu.memory_space<hbm>> -> memref<50000xi32, #tpu.memory_space<hbm>>
        tpu.enqueue_dma source(%dma_start3A_219 : memref<50000xi32, #tpu.memory_space<hbm>>) target(%dma_start3A_216 : memref<50000xi32, #tpu.memory_space<vmem_shared>>) target_semaphore(%run_scoped3A_214 : memref<!tpu.dma_semaphore, #tpu.memory_space<semaphore_mem>>)
        %dma_wait3A_220 = arith.constant 0 : i32
        %dma_wait3A_221 = tpu.memref_slice %arg21[%dma_wait3A_220] : memref<100000xi32, #tpu.memory_space<vmem_shared>> -> memref<50000xi32, #tpu.memory_space<vmem_shared>>
        %dma_wait3A_222 = arith.constant 0 : i32
        %dma_wait3A_223 = tpu.memref_slice %arg3[%run_scoped3A, %dma_wait3A_222] : memref<8x100000xi32, #tpu.memory_space<hbm>> -> memref<1x50000xi32, #tpu.memory_space<hbm>>
        %dma_wait3A_224 = tpu.memref_squeeze %dma_wait3A_223 : memref<1x50000xi32, #tpu.memory_space<hbm>> -> memref<50000xi32, #tpu.memory_space<hbm>>
        tpu.wait_dma2 semaphore(%run_scoped3A_214 : memref<!tpu.dma_semaphore, #tpu.memory_space<semaphore_mem>>) src(%dma_wait3A_224 : memref<50000xi32, #tpu.memory_space<hbm>>) dst(%dma_wait3A_221 : memref<50000xi32, #tpu.memory_space<vmem_shared>>)
        tpu.yield
      }) : () -> ()
    } else {
    }
    %eq3A_75 = arith.constant 15 : i32
    %eq3A_76 = arith.cmpi eq, %arg1, %eq3A_75 : i32
    %convert_element_type3A_77 = arith.extui %eq3A_76 : i1 to i32
    %cond3A_78 = arith.constant 0 : i32
    %cond3A_79 = arith.cmpi ne, %convert_element_type3A_77, %cond3A_78 : i32
    scf.if %cond3A_79 {
      %run_scoped3A = arith.constant 7 : i32
      "tpu.region"() ({
        %run_scoped3A_214 = tpu.sem_alloc : memref<!tpu.dma_semaphore, #tpu.memory_space<semaphore_mem>>
        %dma_start3A_215 = arith.constant 50000 : i32
        %dma_start3A_216 = tpu.memref_slice %arg21[%dma_start3A_215] : memref<100000xi32, #tpu.memory_space<vmem_shared>> -> memref<50000xi32, #tpu.memory_space<vmem_shared>>
        %dma_start3A_217 = arith.constant 50000 : i32
        %dma_start3A_218 = tpu.memref_slice %arg3[%run_scoped3A, %dma_start3A_217] : memref<8x100000xi32, #tpu.memory_space<hbm>> -> memref<1x50000xi32, #tpu.memory_space<hbm>>
        %dma_start3A_219 = tpu.memref_squeeze %dma_start3A_218 : memref<1x50000xi32, #tpu.memory_space<hbm>> -> memref<50000xi32, #tpu.memory_space<hbm>>
        tpu.enqueue_dma source(%dma_start3A_219 : memref<50000xi32, #tpu.memory_space<hbm>>) target(%dma_start3A_216 : memref<50000xi32, #tpu.memory_space<vmem_shared>>) target_semaphore(%run_scoped3A_214 : memref<!tpu.dma_semaphore, #tpu.memory_space<semaphore_mem>>)
        %dma_wait3A_220 = arith.constant 50000 : i32
        %dma_wait3A_221 = tpu.memref_slice %arg21[%dma_wait3A_220] : memref<100000xi32, #tpu.memory_space<vmem_shared>> -> memref<50000xi32, #tpu.memory_space<vmem_shared>>
        %dma_wait3A_222 = arith.constant 50000 : i32
        %dma_wait3A_223 = tpu.memref_slice %arg3[%run_scoped3A, %dma_wait3A_222] : memref<8x100000xi32, #tpu.memory_space<hbm>> -> memref<1x50000xi32, #tpu.memory_space<hbm>>
        %dma_wait3A_224 = tpu.memref_squeeze %dma_wait3A_223 : memref<1x50000xi32, #tpu.memory_space<hbm>> -> memref<50000xi32, #tpu.memory_space<hbm>>
        tpu.wait_dma2 semaphore(%run_scoped3A_214 : memref<!tpu.dma_semaphore, #tpu.memory_space<semaphore_mem>>) src(%dma_wait3A_224 : memref<50000xi32, #tpu.memory_space<hbm>>) dst(%dma_wait3A_221 : memref<50000xi32, #tpu.memory_space<vmem_shared>>)
        tpu.yield
      }) : () -> ()
    } else {
    }
    %mul3A_80 = arith.constant 128 : i32
    %mul3A_81 = arith.muli %arg1, %mul3A_80 : i32
    %mul3A_82 = arith.constant 128 : i32
    %mul3A_83 = arith.muli %arg1, %mul3A_82 : i32
    "tpu.region"() ({
      %run_scoped3A = tpu.sem_alloc : memref<!tpu.dma_semaphore, #tpu.memory_space<semaphore_mem>>
      %dma_start3A_214 = arith.constant 0 : i32
      %dma_start3A_215 = tpu.memref_slice %arg22[%mul3A_83, %dma_start3A_214] : memref<2048x16xf32, #tpu.memory_space<vmem_shared>> -> memref<128x16xf32, #tpu.memory_space<vmem_shared>>
      %dma_start3A_216 = arith.constant 0 : i32
      %dma_start3A_217 = tpu.memref_slice %arg4[%mul3A_81, %dma_start3A_216] : memref<2048x16xf32, #tpu.memory_space<hbm>> -> memref<128x16xf32, #tpu.memory_space<hbm>>
      tpu.enqueue_dma source(%dma_start3A_217 : memref<128x16xf32, #tpu.memory_space<hbm>>) target(%dma_start3A_215 : memref<128x16xf32, #tpu.memory_space<vmem_shared>>) target_semaphore(%run_scoped3A : memref<!tpu.dma_semaphore, #tpu.memory_space<semaphore_mem>>)
      %dma_wait3A_218 = arith.constant 0 : i32
      %dma_wait3A_219 = tpu.memref_slice %arg22[%mul3A_83, %dma_wait3A_218] : memref<2048x16xf32, #tpu.memory_space<vmem_shared>> -> memref<128x16xf32, #tpu.memory_space<vmem_shared>>
      %dma_wait3A_220 = arith.constant 0 : i32
      %dma_wait3A_221 = tpu.memref_slice %arg4[%mul3A_81, %dma_wait3A_220] : memref<2048x16xf32, #tpu.memory_space<hbm>> -> memref<128x16xf32, #tpu.memory_space<hbm>>
      tpu.wait_dma2 semaphore(%run_scoped3A : memref<!tpu.dma_semaphore, #tpu.memory_space<semaphore_mem>>) src(%dma_wait3A_221 : memref<128x16xf32, #tpu.memory_space<hbm>>) dst(%dma_wait3A_219 : memref<128x16xf32, #tpu.memory_space<vmem_shared>>)
      tpu.yield
    }) : () -> ()
    %barrier3A = arith.constant 0 : index
    tpu.barrier barrier_id(%barrier3A)
    %iota3A = tpu.iota {dimensions = array<i32: 0>} : vector<16xi32>
    %shift_right_arithmetic3A = arith.constant 3 : i32
    %shift_right_arithmetic3A_84 = vector.broadcast %shift_right_arithmetic3A : i32 to vector<16xi32>
    %shift_right_arithmetic3A_85 = arith.shrsi %iota3A, %shift_right_arithmetic3A_84 : vector<16xi32>
    %and3A = arith.constant 7 : i32
    %and3A_86 = vector.broadcast %and3A : i32 to vector<16xi32>
    %and3A_87 = arith.andi %iota3A, %and3A_86 : vector<16xi32>
    %shift_left3A = arith.constant 8 : i32
    %shift_left3A_88 = vector.broadcast %shift_left3A : i32 to vector<16xi32>
    %shift_left3A_89 = arith.shli %and3A_87, %shift_left3A_88 : vector<16xi32>
    %dma_start3A = tpu.memref_slice %arg2[%mul3A_2] : memref<204800xi32, #tpu.memory_space<hbm>> -> memref<128xi32, #tpu.memory_space<hbm>>
    %dma_start3A_90 = tpu.memref_slice %arg2[%mul3A_2] : memref<204800xi32, #tpu.memory_space<hbm>> -> memref<128xi32, #tpu.memory_space<hbm>>
    tpu.enqueue_dma source(%dma_start3A_90 : memref<128xi32, #tpu.memory_space<hbm>>) target(%arg6 : memref<128xi32, #tpu.memory_space<vmem>>) target_semaphore(%arg23 : memref<!tpu.dma_semaphore, #tpu.memory_space<semaphore_mem>>)
    %add3A_91 = arith.constant 4096 : i32
    %add3A_92 = arith.addi %mul3A_2, %add3A_91 : i32
    %dma_start3A_93 = tpu.memref_slice %arg2[%add3A_92] : memref<204800xi32, #tpu.memory_space<hbm>> -> memref<128xi32, #tpu.memory_space<hbm>>
    %dma_start3A_94 = tpu.memref_slice %arg2[%add3A_92] : memref<204800xi32, #tpu.memory_space<hbm>> -> memref<128xi32, #tpu.memory_space<hbm>>
    tpu.enqueue_dma source(%dma_start3A_94 : memref<128xi32, #tpu.memory_space<hbm>>) target(%arg7 : memref<128xi32, #tpu.memory_space<vmem>>) target_semaphore(%arg24 : memref<!tpu.dma_semaphore, #tpu.memory_space<semaphore_mem>>)
    %dma_wait3A = arith.constant 0 : i32
    %dma_wait3A_95 = tpu.memref_slice %arg2[%dma_wait3A] : memref<204800xi32, #tpu.memory_space<hbm>> -> memref<128xi32, #tpu.memory_space<hbm>>
    %dma_wait3A_96 = arith.constant 0 : i32
    %dma_wait3A_97 = tpu.memref_slice %arg2[%dma_wait3A_96] : memref<204800xi32, #tpu.memory_space<hbm>> -> memref<128xi32, #tpu.memory_space<hbm>>
    tpu.wait_dma2 semaphore(%arg23 : memref<!tpu.dma_semaphore, #tpu.memory_space<semaphore_mem>>) src(%dma_wait3A_97 : memref<128xi32, #tpu.memory_space<hbm>>) dst(%arg6 : memref<128xi32, #tpu.memory_space<vmem>>)
    %dma_start3A_98 = arith.constant 0 : i32
    %dma_start3A_99 = arith.constant 0 : i32
    %dma_start3A_100 = tpu.memref_slice %arg8[%dma_start3A_98, %dma_start3A_99] : memref<8x128xi32, #tpu.memory_space<vmem>> -> memref<1x128xi32, #tpu.memory_space<vmem>>
    %dma_start3A_101 = tpu.memref_squeeze %dma_start3A_100 : memref<1x128xi32, #tpu.memory_space<vmem>> -> memref<128xi32, #tpu.memory_space<vmem>>
    %dma_start3A_102 = arith.constant 0 : i32
    %dma_start3A_103 = tpu.memref_slice %arg14[%dma_start3A_102] : memref<100000xi32, #tpu.memory_space<vmem_shared>> -> memref<100000xi32, #tpu.memory_space<vmem_shared>>
    tpu.enqueue_indirect_dma source(%dma_start3A_103 : memref<100000xi32, #tpu.memory_space<vmem_shared>>) target(%dma_start3A_101 : memref<128xi32, #tpu.memory_space<vmem>>) offsets(%arg6 : memref<128xi32, #tpu.memory_space<vmem>>) semaphore(%arg25 : memref<!tpu.dma_semaphore, #tpu.memory_space<semaphore_mem>>)
    %dma_start3A_104 = arith.constant 1 : i32
    %dma_start3A_105 = arith.constant 0 : i32
    %dma_start3A_106 = tpu.memref_slice %arg8[%dma_start3A_104, %dma_start3A_105] : memref<8x128xi32, #tpu.memory_space<vmem>> -> memref<1x128xi32, #tpu.memory_space<vmem>>
    %dma_start3A_107 = tpu.memref_squeeze %dma_start3A_106 : memref<1x128xi32, #tpu.memory_space<vmem>> -> memref<128xi32, #tpu.memory_space<vmem>>
    %dma_start3A_108 = arith.constant 0 : i32
    %dma_start3A_109 = tpu.memref_slice %arg15[%dma_start3A_108] : memref<100000xi32, #tpu.memory_space<vmem_shared>> -> memref<100000xi32, #tpu.memory_space<vmem_shared>>
    tpu.enqueue_indirect_dma source(%dma_start3A_109 : memref<100000xi32, #tpu.memory_space<vmem_shared>>) target(%dma_start3A_107 : memref<128xi32, #tpu.memory_space<vmem>>) offsets(%arg6 : memref<128xi32, #tpu.memory_space<vmem>>) semaphore(%arg25 : memref<!tpu.dma_semaphore, #tpu.memory_space<semaphore_mem>>)
    %dma_start3A_110 = arith.constant 2 : i32
    %dma_start3A_111 = arith.constant 0 : i32
    %dma_start3A_112 = tpu.memref_slice %arg8[%dma_start3A_110, %dma_start3A_111] : memref<8x128xi32, #tpu.memory_space<vmem>> -> memref<1x128xi32, #tpu.memory_space<vmem>>
    %dma_start3A_113 = tpu.memref_squeeze %dma_start3A_112 : memref<1x128xi32, #tpu.memory_space<vmem>> -> memref<128xi32, #tpu.memory_space<vmem>>
    %dma_start3A_114 = arith.constant 0 : i32
    %dma_start3A_115 = tpu.memref_slice %arg16[%dma_start3A_114] : memref<100000xi32, #tpu.memory_space<vmem_shared>> -> memref<100000xi32, #tpu.memory_space<vmem_shared>>
    tpu.enqueue_indirect_dma source(%dma_start3A_115 : memref<100000xi32, #tpu.memory_space<vmem_shared>>) target(%dma_start3A_113 : memref<128xi32, #tpu.memory_space<vmem>>) offsets(%arg6 : memref<128xi32, #tpu.memory_space<vmem>>) semaphore(%arg25 : memref<!tpu.dma_semaphore, #tpu.memory_space<semaphore_mem>>)
    %dma_start3A_116 = arith.constant 3 : i32
    %dma_start3A_117 = arith.constant 0 : i32
    %dma_start3A_118 = tpu.memref_slice %arg8[%dma_start3A_116, %dma_start3A_117] : memref<8x128xi32, #tpu.memory_space<vmem>> -> memref<1x128xi32, #tpu.memory_space<vmem>>
    %dma_start3A_119 = tpu.memref_squeeze %dma_start3A_118 : memref<1x128xi32, #tpu.memory_space<vmem>> -> memref<128xi32, #tpu.memory_space<vmem>>
    %dma_start3A_120 = arith.constant 0 : i32
    %dma_start3A_121 = tpu.memref_slice %arg17[%dma_start3A_120] : memref<100000xi32, #tpu.memory_space<vmem_shared>> -> memref<100000xi32, #tpu.memory_space<vmem_shared>>
    tpu.enqueue_indirect_dma source(%dma_start3A_121 : memref<100000xi32, #tpu.memory_space<vmem_shared>>) target(%dma_start3A_119 : memref<128xi32, #tpu.memory_space<vmem>>) offsets(%arg6 : memref<128xi32, #tpu.memory_space<vmem>>) semaphore(%arg25 : memref<!tpu.dma_semaphore, #tpu.memory_space<semaphore_mem>>)
    %dma_start3A_122 = arith.constant 4 : i32
    %dma_start3A_123 = arith.constant 0 : i32
    %dma_start3A_124 = tpu.memref_slice %arg8[%dma_start3A_122, %dma_start3A_123] : memref<8x128xi32, #tpu.memory_space<vmem>> -> memref<1x128xi32, #tpu.memory_space<vmem>>
    %dma_start3A_125 = tpu.memref_squeeze %dma_start3A_124 : memref<1x128xi32, #tpu.memory_space<vmem>> -> memref<128xi32, #tpu.memory_space<vmem>>
    %dma_start3A_126 = arith.constant 0 : i32
    %dma_start3A_127 = tpu.memref_slice %arg18[%dma_start3A_126] : memref<100000xi32, #tpu.memory_space<vmem_shared>> -> memref<100000xi32, #tpu.memory_space<vmem_shared>>
    tpu.enqueue_indirect_dma source(%dma_start3A_127 : memref<100000xi32, #tpu.memory_space<vmem_shared>>) target(%dma_start3A_125 : memref<128xi32, #tpu.memory_space<vmem>>) offsets(%arg6 : memref<128xi32, #tpu.memory_space<vmem>>) semaphore(%arg25 : memref<!tpu.dma_semaphore, #tpu.memory_space<semaphore_mem>>)
    %dma_start3A_128 = arith.constant 5 : i32
    %dma_start3A_129 = arith.constant 0 : i32
    %dma_start3A_130 = tpu.memref_slice %arg8[%dma_start3A_128, %dma_start3A_129] : memref<8x128xi32, #tpu.memory_space<vmem>> -> memref<1x128xi32, #tpu.memory_space<vmem>>
    %dma_start3A_131 = tpu.memref_squeeze %dma_start3A_130 : memref<1x128xi32, #tpu.memory_space<vmem>> -> memref<128xi32, #tpu.memory_space<vmem>>
    %dma_start3A_132 = arith.constant 0 : i32
    %dma_start3A_133 = tpu.memref_slice %arg19[%dma_start3A_132] : memref<100000xi32, #tpu.memory_space<vmem_shared>> -> memref<100000xi32, #tpu.memory_space<vmem_shared>>
    tpu.enqueue_indirect_dma source(%dma_start3A_133 : memref<100000xi32, #tpu.memory_space<vmem_shared>>) target(%dma_start3A_131 : memref<128xi32, #tpu.memory_space<vmem>>) offsets(%arg6 : memref<128xi32, #tpu.memory_space<vmem>>) semaphore(%arg25 : memref<!tpu.dma_semaphore, #tpu.memory_space<semaphore_mem>>)
    %dma_start3A_134 = arith.constant 6 : i32
    %dma_start3A_135 = arith.constant 0 : i32
    %dma_start3A_136 = tpu.memref_slice %arg8[%dma_start3A_134, %dma_start3A_135] : memref<8x128xi32, #tpu.memory_space<vmem>> -> memref<1x128xi32, #tpu.memory_space<vmem>>
    %dma_start3A_137 = tpu.memref_squeeze %dma_start3A_136 : memref<1x128xi32, #tpu.memory_space<vmem>> -> memref<128xi32, #tpu.memory_space<vmem>>
    %dma_start3A_138 = arith.constant 0 : i32
    %dma_start3A_139 = tpu.memref_slice %arg20[%dma_start3A_138] : memref<100000xi32, #tpu.memory_space<vmem_shared>> -> memref<100000xi32, #tpu.memory_space<vmem_shared>>
    tpu.enqueue_indirect_dma source(%dma_start3A_139 : memref<100000xi32, #tpu.memory_space<vmem_shared>>) target(%dma_start3A_137 : memref<128xi32, #tpu.memory_space<vmem>>) offsets(%arg6 : memref<128xi32, #tpu.memory_space<vmem>>) semaphore(%arg25 : memref<!tpu.dma_semaphore, #tpu.memory_space<semaphore_mem>>)
    %dma_start3A_140 = arith.constant 7 : i32
    %dma_start3A_141 = arith.constant 0 : i32
    %dma_start3A_142 = tpu.memref_slice %arg8[%dma_start3A_140, %dma_start3A_141] : memref<8x128xi32, #tpu.memory_space<vmem>> -> memref<1x128xi32, #tpu.memory_space<vmem>>
    %dma_start3A_143 = tpu.memref_squeeze %dma_start3A_142 : memref<1x128xi32, #tpu.memory_space<vmem>> -> memref<128xi32, #tpu.memory_space<vmem>>
    %dma_start3A_144 = arith.constant 0 : i32
    %dma_start3A_145 = tpu.memref_slice %arg21[%dma_start3A_144] : memref<100000xi32, #tpu.memory_space<vmem_shared>> -> memref<100000xi32, #tpu.memory_space<vmem_shared>>
    tpu.enqueue_indirect_dma source(%dma_start3A_145 : memref<100000xi32, #tpu.memory_space<vmem_shared>>) target(%dma_start3A_143 : memref<128xi32, #tpu.memory_space<vmem>>) offsets(%arg6 : memref<128xi32, #tpu.memory_space<vmem>>) semaphore(%arg25 : memref<!tpu.dma_semaphore, #tpu.memory_space<semaphore_mem>>)
    %dma_wait3A_146 = arith.constant 0 : i32
    %dma_wait3A_147 = tpu.memref_slice %arg2[%dma_wait3A_146] : memref<204800xi32, #tpu.memory_space<hbm>> -> memref<128xi32, #tpu.memory_space<hbm>>
    %dma_wait3A_148 = arith.constant 0 : i32
    %dma_wait3A_149 = tpu.memref_slice %arg2[%dma_wait3A_148] : memref<204800xi32, #tpu.memory_space<hbm>> -> memref<128xi32, #tpu.memory_space<hbm>>
    tpu.wait_dma2 semaphore(%arg24 : memref<!tpu.dma_semaphore, #tpu.memory_space<semaphore_mem>>) src(%dma_wait3A_149 : memref<128xi32, #tpu.memory_space<hbm>>) dst(%arg7 : memref<128xi32, #tpu.memory_space<vmem>>)
    %dma_start3A_150 = arith.constant 0 : i32
    %dma_start3A_151 = arith.constant 0 : i32
    %dma_start3A_152 = tpu.memref_slice %arg9[%dma_start3A_150, %dma_start3A_151] : memref<8x128xi32, #tpu.memory_space<vmem>> -> memref<1x128xi32, #tpu.memory_space<vmem>>
    %dma_start3A_153 = tpu.memref_squeeze %dma_start3A_152 : memref<1x128xi32, #tpu.memory_space<vmem>> -> memref<128xi32, #tpu.memory_space<vmem>>
    %dma_start3A_154 = arith.constant 0 : i32
    %dma_start3A_155 = tpu.memref_slice %arg14[%dma_start3A_154] : memref<100000xi32, #tpu.memory_space<vmem_shared>> -> memref<100000xi32, #tpu.memory_space<vmem_shared>>
    tpu.enqueue_indirect_dma source(%dma_start3A_155 : memref<100000xi32, #tpu.memory_space<vmem_shared>>) target(%dma_start3A_153 : memref<128xi32, #tpu.memory_space<vmem>>) offsets(%arg7 : memref<128xi32, #tpu.memory_space<vmem>>) semaphore(%arg26 : memref<!tpu.dma_semaphore, #tpu.memory_space<semaphore_mem>>)
    %dma_start3A_156 = arith.constant 1 : i32
    %dma_start3A_157 = arith.constant 0 : i32
    %dma_start3A_158 = tpu.memref_slice %arg9[%dma_start3A_156, %dma_start3A_157] : memref<8x128xi32, #tpu.memory_space<vmem>> -> memref<1x128xi32, #tpu.memory_space<vmem>>
    %dma_start3A_159 = tpu.memref_squeeze %dma_start3A_158 : memref<1x128xi32, #tpu.memory_space<vmem>> -> memref<128xi32, #tpu.memory_space<vmem>>
    %dma_start3A_160 = arith.constant 0 : i32
    %dma_start3A_161 = tpu.memref_slice %arg15[%dma_start3A_160] : memref<100000xi32, #tpu.memory_space<vmem_shared>> -> memref<100000xi32, #tpu.memory_space<vmem_shared>>
    tpu.enqueue_indirect_dma source(%dma_start3A_161 : memref<100000xi32, #tpu.memory_space<vmem_shared>>) target(%dma_start3A_159 : memref<128xi32, #tpu.memory_space<vmem>>) offsets(%arg7 : memref<128xi32, #tpu.memory_space<vmem>>) semaphore(%arg26 : memref<!tpu.dma_semaphore, #tpu.memory_space<semaphore_mem>>)
    %dma_start3A_162 = arith.constant 2 : i32
    %dma_start3A_163 = arith.constant 0 : i32
    %dma_start3A_164 = tpu.memref_slice %arg9[%dma_start3A_162, %dma_start3A_163] : memref<8x128xi32, #tpu.memory_space<vmem>> -> memref<1x128xi32, #tpu.memory_space<vmem>>
    %dma_start3A_165 = tpu.memref_squeeze %dma_start3A_164 : memref<1x128xi32, #tpu.memory_space<vmem>> -> memref<128xi32, #tpu.memory_space<vmem>>
    %dma_start3A_166 = arith.constant 0 : i32
    %dma_start3A_167 = tpu.memref_slice %arg16[%dma_start3A_166] : memref<100000xi32, #tpu.memory_space<vmem_shared>> -> memref<100000xi32, #tpu.memory_space<vmem_shared>>
    tpu.enqueue_indirect_dma source(%dma_start3A_167 : memref<100000xi32, #tpu.memory_space<vmem_shared>>) target(%dma_start3A_165 : memref<128xi32, #tpu.memory_space<vmem>>) offsets(%arg7 : memref<128xi32, #tpu.memory_space<vmem>>) semaphore(%arg26 : memref<!tpu.dma_semaphore, #tpu.memory_space<semaphore_mem>>)
    %dma_start3A_168 = arith.constant 3 : i32
    %dma_start3A_169 = arith.constant 0 : i32
    %dma_start3A_170 = tpu.memref_slice %arg9[%dma_start3A_168, %dma_start3A_169] : memref<8x128xi32, #tpu.memory_space<vmem>> -> memref<1x128xi32, #tpu.memory_space<vmem>>
    %dma_start3A_171 = tpu.memref_squeeze %dma_start3A_170 : memref<1x128xi32, #tpu.memory_space<vmem>> -> memref<128xi32, #tpu.memory_space<vmem>>
    %dma_start3A_172 = arith.constant 0 : i32
    %dma_start3A_173 = tpu.memref_slice %arg17[%dma_start3A_172] : memref<100000xi32, #tpu.memory_space<vmem_shared>> -> memref<100000xi32, #tpu.memory_space<vmem_shared>>
    tpu.enqueue_indirect_dma source(%dma_start3A_173 : memref<100000xi32, #tpu.memory_space<vmem_shared>>) target(%dma_start3A_171 : memref<128xi32, #tpu.memory_space<vmem>>) offsets(%arg7 : memref<128xi32, #tpu.memory_space<vmem>>) semaphore(%arg26 : memref<!tpu.dma_semaphore, #tpu.memory_space<semaphore_mem>>)
    %dma_start3A_174 = arith.constant 4 : i32
    %dma_start3A_175 = arith.constant 0 : i32
    %dma_start3A_176 = tpu.memref_slice %arg9[%dma_start3A_174, %dma_start3A_175] : memref<8x128xi32, #tpu.memory_space<vmem>> -> memref<1x128xi32, #tpu.memory_space<vmem>>
    %dma_start3A_177 = tpu.memref_squeeze %dma_start3A_176 : memref<1x128xi32, #tpu.memory_space<vmem>> -> memref<128xi32, #tpu.memory_space<vmem>>
    %dma_start3A_178 = arith.constant 0 : i32
    %dma_start3A_179 = tpu.memref_slice %arg18[%dma_start3A_178] : memref<100000xi32, #tpu.memory_space<vmem_shared>> -> memref<100000xi32, #tpu.memory_space<vmem_shared>>
    tpu.enqueue_indirect_dma source(%dma_start3A_179 : memref<100000xi32, #tpu.memory_space<vmem_shared>>) target(%dma_start3A_177 : memref<128xi32, #tpu.memory_space<vmem>>) offsets(%arg7 : memref<128xi32, #tpu.memory_space<vmem>>) semaphore(%arg26 : memref<!tpu.dma_semaphore, #tpu.memory_space<semaphore_mem>>)
    %dma_start3A_180 = arith.constant 5 : i32
    %dma_start3A_181 = arith.constant 0 : i32
    %dma_start3A_182 = tpu.memref_slice %arg9[%dma_start3A_180, %dma_start3A_181] : memref<8x128xi32, #tpu.memory_space<vmem>> -> memref<1x128xi32, #tpu.memory_space<vmem>>
    %dma_start3A_183 = tpu.memref_squeeze %dma_start3A_182 : memref<1x128xi32, #tpu.memory_space<vmem>> -> memref<128xi32, #tpu.memory_space<vmem>>
    %dma_start3A_184 = arith.constant 0 : i32
    %dma_start3A_185 = tpu.memref_slice %arg19[%dma_start3A_184] : memref<100000xi32, #tpu.memory_space<vmem_shared>> -> memref<100000xi32, #tpu.memory_space<vmem_shared>>
    tpu.enqueue_indirect_dma source(%dma_start3A_185 : memref<100000xi32, #tpu.memory_space<vmem_shared>>) target(%dma_start3A_183 : memref<128xi32, #tpu.memory_space<vmem>>) offsets(%arg7 : memref<128xi32, #tpu.memory_space<vmem>>) semaphore(%arg26 : memref<!tpu.dma_semaphore, #tpu.memory_space<semaphore_mem>>)
    %dma_start3A_186 = arith.constant 6 : i32
    %dma_start3A_187 = arith.constant 0 : i32
    %dma_start3A_188 = tpu.memref_slice %arg9[%dma_start3A_186, %dma_start3A_187] : memref<8x128xi32, #tpu.memory_space<vmem>> -> memref<1x128xi32, #tpu.memory_space<vmem>>
    %dma_start3A_189 = tpu.memref_squeeze %dma_start3A_188 : memref<1x128xi32, #tpu.memory_space<vmem>> -> memref<128xi32, #tpu.memory_space<vmem>>
    %dma_start3A_190 = arith.constant 0 : i32
    %dma_start3A_191 = tpu.memref_slice %arg20[%dma_start3A_190] : memref<100000xi32, #tpu.memory_space<vmem_shared>> -> memref<100000xi32, #tpu.memory_space<vmem_shared>>
    tpu.enqueue_indirect_dma source(%dma_start3A_191 : memref<100000xi32, #tpu.memory_space<vmem_shared>>) target(%dma_start3A_189 : memref<128xi32, #tpu.memory_space<vmem>>) offsets(%arg7 : memref<128xi32, #tpu.memory_space<vmem>>) semaphore(%arg26 : memref<!tpu.dma_semaphore, #tpu.memory_space<semaphore_mem>>)
    %dma_start3A_192 = arith.constant 7 : i32
    %dma_start3A_193 = arith.constant 0 : i32
    %dma_start3A_194 = tpu.memref_slice %arg9[%dma_start3A_192, %dma_start3A_193] : memref<8x128xi32, #tpu.memory_space<vmem>> -> memref<1x128xi32, #tpu.memory_space<vmem>>
    %dma_start3A_195 = tpu.memref_squeeze %dma_start3A_194 : memref<1x128xi32, #tpu.memory_space<vmem>> -> memref<128xi32, #tpu.memory_space<vmem>>
    %dma_start3A_196 = arith.constant 0 : i32
    %dma_start3A_197 = tpu.memref_slice %arg21[%dma_start3A_196] : memref<100000xi32, #tpu.memory_space<vmem_shared>> -> memref<100000xi32, #tpu.memory_space<vmem_shared>>
    tpu.enqueue_indirect_dma source(%dma_start3A_197 : memref<100000xi32, #tpu.memory_space<vmem_shared>>) target(%dma_start3A_195 : memref<128xi32, #tpu.memory_space<vmem>>) offsets(%arg7 : memref<128xi32, #tpu.memory_space<vmem>>) semaphore(%arg26 : memref<!tpu.dma_semaphore, #tpu.memory_space<semaphore_mem>>)
    %scan3A = arith.constant 0 : i32
    %scan3A_198 = arith.constant 25 : i32
    %scan3A_199 = arith.addi %scan3A, %scan3A_198 : i32
    %scan3A_200 = arith.constant 1 : i32
    scf.for %scan3A_214 = %scan3A to %scan3A_199 step %scan3A_200  : i32 {
      %mul3A_215 = arith.constant 1 : i32
      %mul3A_216 = arith.muli %scan3A_214, %mul3A_215 : i32
      %add3A_217 = arith.constant 0 : i32
      %add3A_218 = arith.addi %add3A_217, %mul3A_216 : i32
      %mul3A_219 = arith.constant 2 : i32
      %mul3A_220 = arith.muli %mul3A_219, %add3A_218 : i32
      %mul3A_221 = arith.constant 4096 : i32
      %mul3A_222 = arith.muli %mul3A_220, %mul3A_221 : i32
      %add3A_223 = arith.addi %mul3A_222, %mul3A_2 : i32
      %add3A_224 = arith.constant 4096 : i32
      %add3A_225 = arith.addi %add3A_223, %add3A_224 : i32
      %dma_wait3A_226 = arith.constant 0 : i32
      %dma_wait3A_227 = arith.constant 0 : i32
      %dma_wait3A_228 = tpu.memref_slice %arg8[%dma_wait3A_226, %dma_wait3A_227] : memref<8x128xi32, #tpu.memory_space<vmem>> -> memref<1x128xi32, #tpu.memory_space<vmem>>
      %dma_wait3A_229 = tpu.memref_squeeze %dma_wait3A_228 : memref<1x128xi32, #tpu.memory_space<vmem>> -> memref<128xi32, #tpu.memory_space<vmem>>
      %dma_wait3A_230 = arith.constant 0 : i32
      %dma_wait3A_231 = tpu.memref_slice %arg14[%dma_wait3A_230] : memref<100000xi32, #tpu.memory_space<vmem_shared>> -> memref<100000xi32, #tpu.memory_space<vmem_shared>>
      tpu.wait_indirect_dma semaphore(%arg25 : memref<!tpu.dma_semaphore, #tpu.memory_space<semaphore_mem>>) src(%dma_wait3A_231 : memref<100000xi32, #tpu.memory_space<vmem_shared>>) dst(%dma_wait3A_229 : memref<128xi32, #tpu.memory_space<vmem>>)
      %dma_wait3A_232 = arith.constant 1 : i32
      %dma_wait3A_233 = arith.constant 0 : i32
      %dma_wait3A_234 = tpu.memref_slice %arg8[%dma_wait3A_232, %dma_wait3A_233] : memref<8x128xi32, #tpu.memory_space<vmem>> -> memref<1x128xi32, #tpu.memory_space<vmem>>
      %dma_wait3A_235 = tpu.memref_squeeze %dma_wait3A_234 : memref<1x128xi32, #tpu.memory_space<vmem>> -> memref<128xi32, #tpu.memory_space<vmem>>
      %dma_wait3A_236 = arith.constant 0 : i32
      %dma_wait3A_237 = tpu.memref_slice %arg15[%dma_wait3A_236] : memref<100000xi32, #tpu.memory_space<vmem_shared>> -> memref<100000xi32, #tpu.memory_space<vmem_shared>>
      tpu.wait_indirect_dma semaphore(%arg25 : memref<!tpu.dma_semaphore, #tpu.memory_space<semaphore_mem>>) src(%dma_wait3A_237 : memref<100000xi32, #tpu.memory_space<vmem_shared>>) dst(%dma_wait3A_235 : memref<128xi32, #tpu.memory_space<vmem>>)
      %dma_wait3A_238 = arith.constant 2 : i32
      %dma_wait3A_239 = arith.constant 0 : i32
      %dma_wait3A_240 = tpu.memref_slice %arg8[%dma_wait3A_238, %dma_wait3A_239] : memref<8x128xi32, #tpu.memory_space<vmem>> -> memref<1x128xi32, #tpu.memory_space<vmem>>
      %dma_wait3A_241 = tpu.memref_squeeze %dma_wait3A_240 : memref<1x128xi32, #tpu.memory_space<vmem>> -> memref<128xi32, #tpu.memory_space<vmem>>
      %dma_wait3A_242 = arith.constant 0 : i32
      %dma_wait3A_243 = tpu.memref_slice %arg16[%dma_wait3A_242] : memref<100000xi32, #tpu.memory_space<vmem_shared>> -> memref<100000xi32, #tpu.memory_space<vmem_shared>>
      tpu.wait_indirect_dma semaphore(%arg25 : memref<!tpu.dma_semaphore, #tpu.memory_space<semaphore_mem>>) src(%dma_wait3A_243 : memref<100000xi32, #tpu.memory_space<vmem_shared>>) dst(%dma_wait3A_241 : memref<128xi32, #tpu.memory_space<vmem>>)
      %dma_wait3A_244 = arith.constant 3 : i32
      %dma_wait3A_245 = arith.constant 0 : i32
      %dma_wait3A_246 = tpu.memref_slice %arg8[%dma_wait3A_244, %dma_wait3A_245] : memref<8x128xi32, #tpu.memory_space<vmem>> -> memref<1x128xi32, #tpu.memory_space<vmem>>
      %dma_wait3A_247 = tpu.memref_squeeze %dma_wait3A_246 : memref<1x128xi32, #tpu.memory_space<vmem>> -> memref<128xi32, #tpu.memory_space<vmem>>
      %dma_wait3A_248 = arith.constant 0 : i32
      %dma_wait3A_249 = tpu.memref_slice %arg17[%dma_wait3A_248] : memref<100000xi32, #tpu.memory_space<vmem_shared>> -> memref<100000xi32, #tpu.memory_space<vmem_shared>>
      tpu.wait_indirect_dma semaphore(%arg25 : memref<!tpu.dma_semaphore, #tpu.memory_space<semaphore_mem>>) src(%dma_wait3A_249 : memref<100000xi32, #tpu.memory_space<vmem_shared>>) dst(%dma_wait3A_247 : memref<128xi32, #tpu.memory_space<vmem>>)
      %dma_wait3A_250 = arith.constant 4 : i32
      %dma_wait3A_251 = arith.constant 0 : i32
      %dma_wait3A_252 = tpu.memref_slice %arg8[%dma_wait3A_250, %dma_wait3A_251] : memref<8x128xi32, #tpu.memory_space<vmem>> -> memref<1x128xi32, #tpu.memory_space<vmem>>
      %dma_wait3A_253 = tpu.memref_squeeze %dma_wait3A_252 : memref<1x128xi32, #tpu.memory_space<vmem>> -> memref<128xi32, #tpu.memory_space<vmem>>
      %dma_wait3A_254 = arith.constant 0 : i32
      %dma_wait3A_255 = tpu.memref_slice %arg18[%dma_wait3A_254] : memref<100000xi32, #tpu.memory_space<vmem_shared>> -> memref<100000xi32, #tpu.memory_space<vmem_shared>>
      tpu.wait_indirect_dma semaphore(%arg25 : memref<!tpu.dma_semaphore, #tpu.memory_space<semaphore_mem>>) src(%dma_wait3A_255 : memref<100000xi32, #tpu.memory_space<vmem_shared>>) dst(%dma_wait3A_253 : memref<128xi32, #tpu.memory_space<vmem>>)
      %dma_wait3A_256 = arith.constant 5 : i32
      %dma_wait3A_257 = arith.constant 0 : i32
      %dma_wait3A_258 = tpu.memref_slice %arg8[%dma_wait3A_256, %dma_wait3A_257] : memref<8x128xi32, #tpu.memory_space<vmem>> -> memref<1x128xi32, #tpu.memory_space<vmem>>
      %dma_wait3A_259 = tpu.memref_squeeze %dma_wait3A_258 : memref<1x128xi32, #tpu.memory_space<vmem>> -> memref<128xi32, #tpu.memory_space<vmem>>
      %dma_wait3A_260 = arith.constant 0 : i32
      %dma_wait3A_261 = tpu.memref_slice %arg19[%dma_wait3A_260] : memref<100000xi32, #tpu.memory_space<vmem_shared>> -> memref<100000xi32, #tpu.memory_space<vmem_shared>>
      tpu.wait_indirect_dma semaphore(%arg25 : memref<!tpu.dma_semaphore, #tpu.memory_space<semaphore_mem>>) src(%dma_wait3A_261 : memref<100000xi32, #tpu.memory_space<vmem_shared>>) dst(%dma_wait3A_259 : memref<128xi32, #tpu.memory_space<vmem>>)
      %dma_wait3A_262 = arith.constant 6 : i32
      %dma_wait3A_263 = arith.constant 0 : i32
      %dma_wait3A_264 = tpu.memref_slice %arg8[%dma_wait3A_262, %dma_wait3A_263] : memref<8x128xi32, #tpu.memory_space<vmem>> -> memref<1x128xi32, #tpu.memory_space<vmem>>
      %dma_wait3A_265 = tpu.memref_squeeze %dma_wait3A_264 : memref<1x128xi32, #tpu.memory_space<vmem>> -> memref<128xi32, #tpu.memory_space<vmem>>
      %dma_wait3A_266 = arith.constant 0 : i32
      %dma_wait3A_267 = tpu.memref_slice %arg20[%dma_wait3A_266] : memref<100000xi32, #tpu.memory_space<vmem_shared>> -> memref<100000xi32, #tpu.memory_space<vmem_shared>>
      tpu.wait_indirect_dma semaphore(%arg25 : memref<!tpu.dma_semaphore, #tpu.memory_space<semaphore_mem>>) src(%dma_wait3A_267 : memref<100000xi32, #tpu.memory_space<vmem_shared>>) dst(%dma_wait3A_265 : memref<128xi32, #tpu.memory_space<vmem>>)
      %dma_wait3A_268 = arith.constant 7 : i32
      %dma_wait3A_269 = arith.constant 0 : i32
      %dma_wait3A_270 = tpu.memref_slice %arg8[%dma_wait3A_268, %dma_wait3A_269] : memref<8x128xi32, #tpu.memory_space<vmem>> -> memref<1x128xi32, #tpu.memory_space<vmem>>
      %dma_wait3A_271 = tpu.memref_squeeze %dma_wait3A_270 : memref<1x128xi32, #tpu.memory_space<vmem>> -> memref<128xi32, #tpu.memory_space<vmem>>
      %dma_wait3A_272 = arith.constant 0 : i32
      %dma_wait3A_273 = tpu.memref_slice %arg21[%dma_wait3A_272] : memref<100000xi32, #tpu.memory_space<vmem_shared>> -> memref<100000xi32, #tpu.memory_space<vmem_shared>>
      tpu.wait_indirect_dma semaphore(%arg25 : memref<!tpu.dma_semaphore, #tpu.memory_space<semaphore_mem>>) src(%dma_wait3A_273 : memref<100000xi32, #tpu.memory_space<vmem_shared>>) dst(%dma_wait3A_271 : memref<128xi32, #tpu.memory_space<vmem>>)
      %lt3A = arith.constant 24 : i32
      %lt3A_274 = arith.cmpi slt, %add3A_218, %lt3A : i32
      %convert_element_type3A_275 = arith.extui %lt3A_274 : i1 to i32
      %cond3A_276 = arith.constant 0 : i32
      %cond3A_277 = arith.cmpi ne, %convert_element_type3A_275, %cond3A_276 : i32
      scf.if %cond3A_277 {
        %add3A_501 = arith.constant 8192 : i32
        %add3A_502 = arith.addi %add3A_223, %add3A_501 : i32
        %dma_start3A_503 = tpu.memref_slice %arg2[%add3A_502] : memref<204800xi32, #tpu.memory_space<hbm>> -> memref<128xi32, #tpu.memory_space<hbm>>
        %dma_start3A_504 = tpu.memref_slice %arg2[%add3A_502] : memref<204800xi32, #tpu.memory_space<hbm>> -> memref<128xi32, #tpu.memory_space<hbm>>
        tpu.enqueue_dma source(%dma_start3A_504 : memref<128xi32, #tpu.memory_space<hbm>>) target(%arg6 : memref<128xi32, #tpu.memory_space<vmem>>) target_semaphore(%arg23 : memref<!tpu.dma_semaphore, #tpu.memory_space<semaphore_mem>>)
      } else {
      }
      %scan3A_278 = arith.constant 0 : i32
      %scan3A_279 = arith.constant 32 : i32
      %scan3A_280 = arith.addi %scan3A_278, %scan3A_279 : i32
      %scan3A_281 = arith.constant 1 : i32
      scf.for %scan3A_501 = %scan3A_278 to %scan3A_280 step %scan3A_281  : i32 {
        %mul3A_502 = arith.constant 2 : i32
        %mul3A_503 = arith.muli %scan3A_501, %mul3A_502 : i32
        %add3A_504 = arith.constant 0 : i32
        %add3A_505 = arith.addi %add3A_504, %mul3A_503 : i32
        %mul3A_506 = arith.constant 2 : i32
        %mul3A_507 = arith.muli %mul3A_506, %add3A_505 : i32
        %add3A_508 = vector.broadcast %mul3A_507 : i32 to vector<16xi32>
        %add3A_509 = arith.addi %shift_right_arithmetic3A_85, %add3A_508 : vector<16xi32>
        %gather3A = tpu.vector_load_idx %arg8[%and3A_87, %add3A_509] : memref<8x128xi32, #tpu.memory_space<vmem>>[vector<16xi32>, vector<16xi32>], vector<16xi32>,
        %mul3A_510 = arith.constant 2 : i32
        %mul3A_511 = arith.muli %mul3A_510, %add3A_505 : i32
        %add3A_512 = vector.broadcast %mul3A_511 : i32 to vector<16xi32>
        %add3A_513 = arith.addi %shift_right_arithmetic3A_85, %add3A_512 : vector<16xi32>
        %add3A_514 = arith.constant 2 : i32
        %add3A_515 = vector.broadcast %add3A_514 : i32 to vector<16xi32>
        %add3A_516 = arith.addi %add3A_513, %add3A_515 : vector<16xi32>
        %gather3A_517 = tpu.vector_load_idx %arg8[%and3A_87, %add3A_516] : memref<8x128xi32, #tpu.memory_space<vmem>>[vector<16xi32>, vector<16xi32>], vector<16xi32>,
        %add3A_518 = arith.addi %gather3A, %shift_left3A_89 : vector<16xi32>
        %mul3A_519 = arith.constant 16 : i32
        %mul3A_520 = arith.muli %mul3A_519, %add3A_505 : i32
        %swap3A = arith.index_cast %mul3A_520 : i32 to index
        %swap3A_521 = tpu.vector_load %arg10[%swap3A] {strides = array<i32>} : memref<1024xi32, #tpu.memory_space<vmem>>, vector<16xi32>,
        tpu.vector_store %arg10[%swap3A], %add3A_518 {strides = array<i32>} : memref<1024xi32, #tpu.memory_space<vmem>>, vector<16xi32>,
        %add3A_522 = arith.addi %gather3A_517, %shift_left3A_89 : vector<16xi32>
        %mul3A_523 = arith.constant 16 : i32
        %mul3A_524 = arith.muli %mul3A_523, %add3A_505 : i32
        %add3A_525 = arith.constant 16 : i32
        %add3A_526 = arith.addi %mul3A_524, %add3A_525 : i32
        %swap3A_527 = arith.index_cast %add3A_526 : i32 to index
        %swap3A_528 = tpu.vector_load %arg10[%swap3A_527] {strides = array<i32>} : memref<1024xi32, #tpu.memory_space<vmem>>, vector<16xi32>,
        tpu.vector_store %arg10[%swap3A_527], %add3A_522 {strides = array<i32>} : memref<1024xi32, #tpu.memory_space<vmem>>, vector<16xi32>,
      }
      %scan3A_282 = arith.constant 32 : i32
      %gt3A = arith.constant 0 : i32
      %gt3A_283 = arith.cmpi sgt, %add3A_218, %gt3A : i32
      %convert_element_type3A_284 = arith.extui %gt3A_283 : i1 to i32
      %cond3A_285 = arith.constant 0 : i32
      %cond3A_286 = arith.cmpi ne, %convert_element_type3A_284, %cond3A_285 : i32
      scf.if %cond3A_286 {
        %dma_wait3A_501 = arith.constant 0 : i32
        %dma_wait3A_502 = arith.constant 0 : i32
        %dma_wait3A_503 = tpu.memref_slice %arg5[%dma_wait3A_501, %dma_wait3A_502] : memref<1638400x16xf32, #tpu.memory_space<hbm>> -> memref<1024x16xf32, #tpu.memory_space<hbm>>
        %dma_wait3A_504 = arith.constant 0 : i32
        %dma_wait3A_505 = arith.constant 0 : i32
        %dma_wait3A_506 = tpu.memref_slice %arg5[%dma_wait3A_504, %dma_wait3A_505] : memref<1638400x16xf32, #tpu.memory_space<hbm>> -> memref<1024x16xf32, #tpu.memory_space<hbm>>
        tpu.wait_dma2 semaphore(%arg29 : memref<!tpu.dma_semaphore, #tpu.memory_space<semaphore_mem>>) src(%arg12 : memref<1024x16xf32, #tpu.memory_space<vmem>>) dst(%dma_wait3A_506 : memref<1024x16xf32, #tpu.memory_space<hbm>>)
      } else {
      }
      %dma_start3A_287 = arith.constant 0 : i32
      %dma_start3A_288 = arith.constant 0 : i32
      %dma_start3A_289 = tpu.memref_slice %arg12[%dma_start3A_287, %dma_start3A_288] : memref<1024x16xf32, #tpu.memory_space<vmem>> -> memref<128x16xf32, #tpu.memory_space<vmem>>
      %dma_start3A_290 = arith.constant 0 : i32
      %dma_start3A_291 = tpu.memref_slice %arg10[%dma_start3A_290] : memref<1024xi32, #tpu.memory_space<vmem>> -> memref<128xi32, #tpu.memory_space<vmem>>
      %dma_start3A_292 = arith.constant 0 : i32
      %dma_start3A_293 = arith.constant 0 : i32
      %dma_start3A_294 = tpu.memref_slice %arg22[%dma_start3A_292, %dma_start3A_293] : memref<2048x16xf32, #tpu.memory_space<vmem_shared>> -> memref<2048x16xf32, #tpu.memory_space<vmem_shared>>
      tpu.enqueue_indirect_dma source(%dma_start3A_294 : memref<2048x16xf32, #tpu.memory_space<vmem_shared>>) target(%dma_start3A_289 : memref<128x16xf32, #tpu.memory_space<vmem>>) offsets(%dma_start3A_291 : memref<128xi32, #tpu.memory_space<vmem>>) semaphore(%arg27 : memref<!tpu.dma_semaphore, #tpu.memory_space<semaphore_mem>>)
      %dma_start3A_295 = arith.constant 128 : i32
      %dma_start3A_296 = arith.constant 0 : i32
      %dma_start3A_297 = tpu.memref_slice %arg12[%dma_start3A_295, %dma_start3A_296] : memref<1024x16xf32, #tpu.memory_space<vmem>> -> memref<128x16xf32, #tpu.memory_space<vmem>>
      %dma_start3A_298 = arith.constant 128 : i32
      %dma_start3A_299 = tpu.memref_slice %arg10[%dma_start3A_298] : memref<1024xi32, #tpu.memory_space<vmem>> -> memref<128xi32, #tpu.memory_space<vmem>>
      %dma_start3A_300 = arith.constant 0 : i32
      %dma_start3A_301 = arith.constant 0 : i32
      %dma_start3A_302 = tpu.memref_slice %arg22[%dma_start3A_300, %dma_start3A_301] : memref<2048x16xf32, #tpu.memory_space<vmem_shared>> -> memref<2048x16xf32, #tpu.memory_space<vmem_shared>>
      tpu.enqueue_indirect_dma source(%dma_start3A_302 : memref<2048x16xf32, #tpu.memory_space<vmem_shared>>) target(%dma_start3A_297 : memref<128x16xf32, #tpu.memory_space<vmem>>) offsets(%dma_start3A_299 : memref<128xi32, #tpu.memory_space<vmem>>) semaphore(%arg27 : memref<!tpu.dma_semaphore, #tpu.memory_space<semaphore_mem>>)
      %dma_start3A_303 = arith.constant 256 : i32
      %dma_start3A_304 = arith.constant 0 : i32
      %dma_start3A_305 = tpu.memref_slice %arg12[%dma_start3A_303, %dma_start3A_304] : memref<1024x16xf32, #tpu.memory_space<vmem>> -> memref<128x16xf32, #tpu.memory_space<vmem>>
      %dma_start3A_306 = arith.constant 256 : i32
      %dma_start3A_307 = tpu.memref_slice %arg10[%dma_start3A_306] : memref<1024xi32, #tpu.memory_space<vmem>> -> memref<128xi32, #tpu.memory_space<vmem>>
      %dma_start3A_308 = arith.constant 0 : i32
      %dma_start3A_309 = arith.constant 0 : i32
      %dma_start3A_310 = tpu.memref_slice %arg22[%dma_start3A_308, %dma_start3A_309] : memref<2048x16xf32, #tpu.memory_space<vmem_shared>> -> memref<2048x16xf32, #tpu.memory_space<vmem_shared>>
      tpu.enqueue_indirect_dma source(%dma_start3A_310 : memref<2048x16xf32, #tpu.memory_space<vmem_shared>>) target(%dma_start3A_305 : memref<128x16xf32, #tpu.memory_space<vmem>>) offsets(%dma_start3A_307 : memref<128xi32, #tpu.memory_space<vmem>>) semaphore(%arg27 : memref<!tpu.dma_semaphore, #tpu.memory_space<semaphore_mem>>)
      %dma_start3A_311 = arith.constant 384 : i32
      %dma_start3A_312 = arith.constant 0 : i32
      %dma_start3A_313 = tpu.memref_slice %arg12[%dma_start3A_311, %dma_start3A_312] : memref<1024x16xf32, #tpu.memory_space<vmem>> -> memref<128x16xf32, #tpu.memory_space<vmem>>
      %dma_start3A_314 = arith.constant 384 : i32
      %dma_start3A_315 = tpu.memref_slice %arg10[%dma_start3A_314] : memref<1024xi32, #tpu.memory_space<vmem>> -> memref<128xi32, #tpu.memory_space<vmem>>
      %dma_start3A_316 = arith.constant 0 : i32
      %dma_start3A_317 = arith.constant 0 : i32
      %dma_start3A_318 = tpu.memref_slice %arg22[%dma_start3A_316, %dma_start3A_317] : memref<2048x16xf32, #tpu.memory_space<vmem_shared>> -> memref<2048x16xf32, #tpu.memory_space<vmem_shared>>
      tpu.enqueue_indirect_dma source(%dma_start3A_318 : memref<2048x16xf32, #tpu.memory_space<vmem_shared>>) target(%dma_start3A_313 : memref<128x16xf32, #tpu.memory_space<vmem>>) offsets(%dma_start3A_315 : memref<128xi32, #tpu.memory_space<vmem>>) semaphore(%arg27 : memref<!tpu.dma_semaphore, #tpu.memory_space<semaphore_mem>>)
      %dma_start3A_319 = arith.constant 512 : i32
      %dma_start3A_320 = arith.constant 0 : i32
      %dma_start3A_321 = tpu.memref_slice %arg12[%dma_start3A_319, %dma_start3A_320] : memref<1024x16xf32, #tpu.memory_space<vmem>> -> memref<128x16xf32, #tpu.memory_space<vmem>>
      %dma_start3A_322 = arith.constant 512 : i32
      %dma_start3A_323 = tpu.memref_slice %arg10[%dma_start3A_322] : memref<1024xi32, #tpu.memory_space<vmem>> -> memref<128xi32, #tpu.memory_space<vmem>>
      %dma_start3A_324 = arith.constant 0 : i32
      %dma_start3A_325 = arith.constant 0 : i32
      %dma_start3A_326 = tpu.memref_slice %arg22[%dma_start3A_324, %dma_start3A_325] : memref<2048x16xf32, #tpu.memory_space<vmem_shared>> -> memref<2048x16xf32, #tpu.memory_space<vmem_shared>>
      tpu.enqueue_indirect_dma source(%dma_start3A_326 : memref<2048x16xf32, #tpu.memory_space<vmem_shared>>) target(%dma_start3A_321 : memref<128x16xf32, #tpu.memory_space<vmem>>) offsets(%dma_start3A_323 : memref<128xi32, #tpu.memory_space<vmem>>) semaphore(%arg27 : memref<!tpu.dma_semaphore, #tpu.memory_space<semaphore_mem>>)
      %dma_start3A_327 = arith.constant 640 : i32
      %dma_start3A_328 = arith.constant 0 : i32
      %dma_start3A_329 = tpu.memref_slice %arg12[%dma_start3A_327, %dma_start3A_328] : memref<1024x16xf32, #tpu.memory_space<vmem>> -> memref<128x16xf32, #tpu.memory_space<vmem>>
      %dma_start3A_330 = arith.constant 640 : i32
      %dma_start3A_331 = tpu.memref_slice %arg10[%dma_start3A_330] : memref<1024xi32, #tpu.memory_space<vmem>> -> memref<128xi32, #tpu.memory_space<vmem>>
      %dma_start3A_332 = arith.constant 0 : i32
      %dma_start3A_333 = arith.constant 0 : i32
      %dma_start3A_334 = tpu.memref_slice %arg22[%dma_start3A_332, %dma_start3A_333] : memref<2048x16xf32, #tpu.memory_space<vmem_shared>> -> memref<2048x16xf32, #tpu.memory_space<vmem_shared>>
      tpu.enqueue_indirect_dma source(%dma_start3A_334 : memref<2048x16xf32, #tpu.memory_space<vmem_shared>>) target(%dma_start3A_329 : memref<128x16xf32, #tpu.memory_space<vmem>>) offsets(%dma_start3A_331 : memref<128xi32, #tpu.memory_space<vmem>>) semaphore(%arg27 : memref<!tpu.dma_semaphore, #tpu.memory_space<semaphore_mem>>)
      %dma_start3A_335 = arith.constant 768 : i32
      %dma_start3A_336 = arith.constant 0 : i32
      %dma_start3A_337 = tpu.memref_slice %arg12[%dma_start3A_335, %dma_start3A_336] : memref<1024x16xf32, #tpu.memory_space<vmem>> -> memref<128x16xf32, #tpu.memory_space<vmem>>
      %dma_start3A_338 = arith.constant 768 : i32
      %dma_start3A_339 = tpu.memref_slice %arg10[%dma_start3A_338] : memref<1024xi32, #tpu.memory_space<vmem>> -> memref<128xi32, #tpu.memory_space<vmem>>
      %dma_start3A_340 = arith.constant 0 : i32
      %dma_start3A_341 = arith.constant 0 : i32
      %dma_start3A_342 = tpu.memref_slice %arg22[%dma_start3A_340, %dma_start3A_341] : memref<2048x16xf32, #tpu.memory_space<vmem_shared>> -> memref<2048x16xf32, #tpu.memory_space<vmem_shared>>
      tpu.enqueue_indirect_dma source(%dma_start3A_342 : memref<2048x16xf32, #tpu.memory_space<vmem_shared>>) target(%dma_start3A_337 : memref<128x16xf32, #tpu.memory_space<vmem>>) offsets(%dma_start3A_339 : memref<128xi32, #tpu.memory_space<vmem>>) semaphore(%arg27 : memref<!tpu.dma_semaphore, #tpu.memory_space<semaphore_mem>>)
      %dma_start3A_343 = arith.constant 896 : i32
      %dma_start3A_344 = arith.constant 0 : i32
      %dma_start3A_345 = tpu.memref_slice %arg12[%dma_start3A_343, %dma_start3A_344] : memref<1024x16xf32, #tpu.memory_space<vmem>> -> memref<128x16xf32, #tpu.memory_space<vmem>>
      %dma_start3A_346 = arith.constant 896 : i32
      %dma_start3A_347 = tpu.memref_slice %arg10[%dma_start3A_346] : memref<1024xi32, #tpu.memory_space<vmem>> -> memref<128xi32, #tpu.memory_space<vmem>>
      %dma_start3A_348 = arith.constant 0 : i32
      %dma_start3A_349 = arith.constant 0 : i32
      %dma_start3A_350 = tpu.memref_slice %arg22[%dma_start3A_348, %dma_start3A_349] : memref<2048x16xf32, #tpu.memory_space<vmem_shared>> -> memref<2048x16xf32, #tpu.memory_space<vmem_shared>>
      tpu.enqueue_indirect_dma source(%dma_start3A_350 : memref<2048x16xf32, #tpu.memory_space<vmem_shared>>) target(%dma_start3A_345 : memref<128x16xf32, #tpu.memory_space<vmem>>) offsets(%dma_start3A_347 : memref<128xi32, #tpu.memory_space<vmem>>) semaphore(%arg27 : memref<!tpu.dma_semaphore, #tpu.memory_space<semaphore_mem>>)
      %dma_wait3A_351 = arith.constant 0 : i32
      %dma_wait3A_352 = arith.constant 0 : i32
      %dma_wait3A_353 = tpu.memref_slice %arg9[%dma_wait3A_351, %dma_wait3A_352] : memref<8x128xi32, #tpu.memory_space<vmem>> -> memref<1x128xi32, #tpu.memory_space<vmem>>
      %dma_wait3A_354 = tpu.memref_squeeze %dma_wait3A_353 : memref<1x128xi32, #tpu.memory_space<vmem>> -> memref<128xi32, #tpu.memory_space<vmem>>
      %dma_wait3A_355 = arith.constant 0 : i32
      %dma_wait3A_356 = tpu.memref_slice %arg14[%dma_wait3A_355] : memref<100000xi32, #tpu.memory_space<vmem_shared>> -> memref<100000xi32, #tpu.memory_space<vmem_shared>>
      tpu.wait_indirect_dma semaphore(%arg26 : memref<!tpu.dma_semaphore, #tpu.memory_space<semaphore_mem>>) src(%dma_wait3A_356 : memref<100000xi32, #tpu.memory_space<vmem_shared>>) dst(%dma_wait3A_354 : memref<128xi32, #tpu.memory_space<vmem>>)
      %dma_wait3A_357 = arith.constant 1 : i32
      %dma_wait3A_358 = arith.constant 0 : i32
      %dma_wait3A_359 = tpu.memref_slice %arg9[%dma_wait3A_357, %dma_wait3A_358] : memref<8x128xi32, #tpu.memory_space<vmem>> -> memref<1x128xi32, #tpu.memory_space<vmem>>
      %dma_wait3A_360 = tpu.memref_squeeze %dma_wait3A_359 : memref<1x128xi32, #tpu.memory_space<vmem>> -> memref<128xi32, #tpu.memory_space<vmem>>
      %dma_wait3A_361 = arith.constant 0 : i32
      %dma_wait3A_362 = tpu.memref_slice %arg15[%dma_wait3A_361] : memref<100000xi32, #tpu.memory_space<vmem_shared>> -> memref<100000xi32, #tpu.memory_space<vmem_shared>>
      tpu.wait_indirect_dma semaphore(%arg26 : memref<!tpu.dma_semaphore, #tpu.memory_space<semaphore_mem>>) src(%dma_wait3A_362 : memref<100000xi32, #tpu.memory_space<vmem_shared>>) dst(%dma_wait3A_360 : memref<128xi32, #tpu.memory_space<vmem>>)
      %dma_wait3A_363 = arith.constant 2 : i32
      %dma_wait3A_364 = arith.constant 0 : i32
      %dma_wait3A_365 = tpu.memref_slice %arg9[%dma_wait3A_363, %dma_wait3A_364] : memref<8x128xi32, #tpu.memory_space<vmem>> -> memref<1x128xi32, #tpu.memory_space<vmem>>
      %dma_wait3A_366 = tpu.memref_squeeze %dma_wait3A_365 : memref<1x128xi32, #tpu.memory_space<vmem>> -> memref<128xi32, #tpu.memory_space<vmem>>
      %dma_wait3A_367 = arith.constant 0 : i32
      %dma_wait3A_368 = tpu.memref_slice %arg16[%dma_wait3A_367] : memref<100000xi32, #tpu.memory_space<vmem_shared>> -> memref<100000xi32, #tpu.memory_space<vmem_shared>>
      tpu.wait_indirect_dma semaphore(%arg26 : memref<!tpu.dma_semaphore, #tpu.memory_space<semaphore_mem>>) src(%dma_wait3A_368 : memref<100000xi32, #tpu.memory_space<vmem_shared>>) dst(%dma_wait3A_366 : memref<128xi32, #tpu.memory_space<vmem>>)
      %dma_wait3A_369 = arith.constant 3 : i32
      %dma_wait3A_370 = arith.constant 0 : i32
      %dma_wait3A_371 = tpu.memref_slice %arg9[%dma_wait3A_369, %dma_wait3A_370] : memref<8x128xi32, #tpu.memory_space<vmem>> -> memref<1x128xi32, #tpu.memory_space<vmem>>
      %dma_wait3A_372 = tpu.memref_squeeze %dma_wait3A_371 : memref<1x128xi32, #tpu.memory_space<vmem>> -> memref<128xi32, #tpu.memory_space<vmem>>
      %dma_wait3A_373 = arith.constant 0 : i32
      %dma_wait3A_374 = tpu.memref_slice %arg17[%dma_wait3A_373] : memref<100000xi32, #tpu.memory_space<vmem_shared>> -> memref<100000xi32, #tpu.memory_space<vmem_shared>>
      tpu.wait_indirect_dma semaphore(%arg26 : memref<!tpu.dma_semaphore, #tpu.memory_space<semaphore_mem>>) src(%dma_wait3A_374 : memref<100000xi32, #tpu.memory_space<vmem_shared>>) dst(%dma_wait3A_372 : memref<128xi32, #tpu.memory_space<vmem>>)
      %dma_wait3A_375 = arith.constant 4 : i32
      %dma_wait3A_376 = arith.constant 0 : i32
      %dma_wait3A_377 = tpu.memref_slice %arg9[%dma_wait3A_375, %dma_wait3A_376] : memref<8x128xi32, #tpu.memory_space<vmem>> -> memref<1x128xi32, #tpu.memory_space<vmem>>
      %dma_wait3A_378 = tpu.memref_squeeze %dma_wait3A_377 : memref<1x128xi32, #tpu.memory_space<vmem>> -> memref<128xi32, #tpu.memory_space<vmem>>
      %dma_wait3A_379 = arith.constant 0 : i32
      %dma_wait3A_380 = tpu.memref_slice %arg18[%dma_wait3A_379] : memref<100000xi32, #tpu.memory_space<vmem_shared>> -> memref<100000xi32, #tpu.memory_space<vmem_shared>>
      tpu.wait_indirect_dma semaphore(%arg26 : memref<!tpu.dma_semaphore, #tpu.memory_space<semaphore_mem>>) src(%dma_wait3A_380 : memref<100000xi32, #tpu.memory_space<vmem_shared>>) dst(%dma_wait3A_378 : memref<128xi32, #tpu.memory_space<vmem>>)
      %dma_wait3A_381 = arith.constant 5 : i32
      %dma_wait3A_382 = arith.constant 0 : i32
      %dma_wait3A_383 = tpu.memref_slice %arg9[%dma_wait3A_381, %dma_wait3A_382] : memref<8x128xi32, #tpu.memory_space<vmem>> -> memref<1x128xi32, #tpu.memory_space<vmem>>
      %dma_wait3A_384 = tpu.memref_squeeze %dma_wait3A_383 : memref<1x128xi32, #tpu.memory_space<vmem>> -> memref<128xi32, #tpu.memory_space<vmem>>
      %dma_wait3A_385 = arith.constant 0 : i32
      %dma_wait3A_386 = tpu.memref_slice %arg19[%dma_wait3A_385] : memref<100000xi32, #tpu.memory_space<vmem_shared>> -> memref<100000xi32, #tpu.memory_space<vmem_shared>>
      tpu.wait_indirect_dma semaphore(%arg26 : memref<!tpu.dma_semaphore, #tpu.memory_space<semaphore_mem>>) src(%dma_wait3A_386 : memref<100000xi32, #tpu.memory_space<vmem_shared>>) dst(%dma_wait3A_384 : memref<128xi32, #tpu.memory_space<vmem>>)
      %dma_wait3A_387 = arith.constant 6 : i32
      %dma_wait3A_388 = arith.constant 0 : i32
      %dma_wait3A_389 = tpu.memref_slice %arg9[%dma_wait3A_387, %dma_wait3A_388] : memref<8x128xi32, #tpu.memory_space<vmem>> -> memref<1x128xi32, #tpu.memory_space<vmem>>
      %dma_wait3A_390 = tpu.memref_squeeze %dma_wait3A_389 : memref<1x128xi32, #tpu.memory_space<vmem>> -> memref<128xi32, #tpu.memory_space<vmem>>
      %dma_wait3A_391 = arith.constant 0 : i32
      %dma_wait3A_392 = tpu.memref_slice %arg20[%dma_wait3A_391] : memref<100000xi32, #tpu.memory_space<vmem_shared>> -> memref<100000xi32, #tpu.memory_space<vmem_shared>>
      tpu.wait_indirect_dma semaphore(%arg26 : memref<!tpu.dma_semaphore, #tpu.memory_space<semaphore_mem>>) src(%dma_wait3A_392 : memref<100000xi32, #tpu.memory_space<vmem_shared>>) dst(%dma_wait3A_390 : memref<128xi32, #tpu.memory_space<vmem>>)
      %dma_wait3A_393 = arith.constant 7 : i32
      %dma_wait3A_394 = arith.constant 0 : i32
      %dma_wait3A_395 = tpu.memref_slice %arg9[%dma_wait3A_393, %dma_wait3A_394] : memref<8x128xi32, #tpu.memory_space<vmem>> -> memref<1x128xi32, #tpu.memory_space<vmem>>
      %dma_wait3A_396 = tpu.memref_squeeze %dma_wait3A_395 : memref<1x128xi32, #tpu.memory_space<vmem>> -> memref<128xi32, #tpu.memory_space<vmem>>
      %dma_wait3A_397 = arith.constant 0 : i32
      %dma_wait3A_398 = tpu.memref_slice %arg21[%dma_wait3A_397] : memref<100000xi32, #tpu.memory_space<vmem_shared>> -> memref<100000xi32, #tpu.memory_space<vmem_shared>>
      tpu.wait_indirect_dma semaphore(%arg26 : memref<!tpu.dma_semaphore, #tpu.memory_space<semaphore_mem>>) src(%dma_wait3A_398 : memref<100000xi32, #tpu.memory_space<vmem_shared>>) dst(%dma_wait3A_396 : memref<128xi32, #tpu.memory_space<vmem>>)
      %lt3A_399 = arith.constant 24 : i32
      %lt3A_400 = arith.cmpi slt, %add3A_218, %lt3A_399 : i32
      %convert_element_type3A_401 = arith.extui %lt3A_400 : i1 to i32
      %cond3A_402 = arith.constant 0 : i32
      %cond3A_403 = arith.cmpi ne, %convert_element_type3A_401, %cond3A_402 : i32
      scf.if %cond3A_403 {
        %add3A_501 = arith.constant 12288 : i32
        %add3A_502 = arith.addi %add3A_223, %add3A_501 : i32
        %dma_start3A_503 = tpu.memref_slice %arg2[%add3A_502] : memref<204800xi32, #tpu.memory_space<hbm>> -> memref<128xi32, #tpu.memory_space<hbm>>
        %dma_start3A_504 = tpu.memref_slice %arg2[%add3A_502] : memref<204800xi32, #tpu.memory_space<hbm>> -> memref<128xi32, #tpu.memory_space<hbm>>
        tpu.enqueue_dma source(%dma_start3A_504 : memref<128xi32, #tpu.memory_space<hbm>>) target(%arg7 : memref<128xi32, #tpu.memory_space<vmem>>) target_semaphore(%arg24 : memref<!tpu.dma_semaphore, #tpu.memory_space<semaphore_mem>>)
      } else {
      }
      %scan3A_404 = arith.constant 0 : i32
      %scan3A_405 = arith.constant 32 : i32
      %scan3A_406 = arith.addi %scan3A_404, %scan3A_405 : i32
      %scan3A_407 = arith.constant 1 : i32
      scf.for %scan3A_501 = %scan3A_404 to %scan3A_406 step %scan3A_407  : i32 {
        %mul3A_502 = arith.constant 2 : i32
        %mul3A_503 = arith.muli %scan3A_501, %mul3A_502 : i32
        %add3A_504 = arith.constant 0 : i32
        %add3A_505 = arith.addi %add3A_504, %mul3A_503 : i32
        %mul3A_506 = arith.constant 2 : i32
        %mul3A_507 = arith.muli %mul3A_506, %add3A_505 : i32
        %add3A_508 = vector.broadcast %mul3A_507 : i32 to vector<16xi32>
        %add3A_509 = arith.addi %shift_right_arithmetic3A_85, %add3A_508 : vector<16xi32>
        %gather3A = tpu.vector_load_idx %arg9[%and3A_87, %add3A_509] : memref<8x128xi32, #tpu.memory_space<vmem>>[vector<16xi32>, vector<16xi32>], vector<16xi32>,
        %mul3A_510 = arith.constant 2 : i32
        %mul3A_511 = arith.muli %mul3A_510, %add3A_505 : i32
        %add3A_512 = vector.broadcast %mul3A_511 : i32 to vector<16xi32>
        %add3A_513 = arith.addi %shift_right_arithmetic3A_85, %add3A_512 : vector<16xi32>
        %add3A_514 = arith.constant 2 : i32
        %add3A_515 = vector.broadcast %add3A_514 : i32 to vector<16xi32>
        %add3A_516 = arith.addi %add3A_513, %add3A_515 : vector<16xi32>
        %gather3A_517 = tpu.vector_load_idx %arg9[%and3A_87, %add3A_516] : memref<8x128xi32, #tpu.memory_space<vmem>>[vector<16xi32>, vector<16xi32>], vector<16xi32>,
        %add3A_518 = arith.addi %gather3A, %shift_left3A_89 : vector<16xi32>
        %mul3A_519 = arith.constant 16 : i32
        %mul3A_520 = arith.muli %mul3A_519, %add3A_505 : i32
        %swap3A = arith.index_cast %mul3A_520 : i32 to index
        %swap3A_521 = tpu.vector_load %arg11[%swap3A] {strides = array<i32>} : memref<1024xi32, #tpu.memory_space<vmem>>, vector<16xi32>,
        tpu.vector_store %arg11[%swap3A], %add3A_518 {strides = array<i32>} : memref<1024xi32, #tpu.memory_space<vmem>>, vector<16xi32>,
        %add3A_522 = arith.addi %gather3A_517, %shift_left3A_89 : vector<16xi32>
        %mul3A_523 = arith.constant 16 : i32
        %mul3A_524 = arith.muli %mul3A_523, %add3A_505 : i32
        %add3A_525 = arith.constant 16 : i32
        %add3A_526 = arith.addi %mul3A_524, %add3A_525 : i32
        %swap3A_527 = arith.index_cast %add3A_526 : i32 to index
        %swap3A_528 = tpu.vector_load %arg11[%swap3A_527] {strides = array<i32>} : memref<1024xi32, #tpu.memory_space<vmem>>, vector<16xi32>,
        tpu.vector_store %arg11[%swap3A_527], %add3A_522 {strides = array<i32>} : memref<1024xi32, #tpu.memory_space<vmem>>, vector<16xi32>,
      }
      %scan3A_408 = arith.constant 32 : i32
      %gt3A_409 = arith.constant 0 : i32
      %gt3A_410 = arith.cmpi sgt, %add3A_218, %gt3A_409 : i32
      %convert_element_type3A_411 = arith.extui %gt3A_410 : i1 to i32
      %cond3A_412 = arith.constant 0 : i32
      %cond3A_413 = arith.cmpi ne, %convert_element_type3A_411, %cond3A_412 : i32
      scf.if %cond3A_413 {
        %dma_wait3A_501 = arith.constant 0 : i32
        %dma_wait3A_502 = arith.constant 0 : i32
        %dma_wait3A_503 = tpu.memref_slice %arg5[%dma_wait3A_501, %dma_wait3A_502] : memref<1638400x16xf32, #tpu.memory_space<hbm>> -> memref<1024x16xf32, #tpu.memory_space<hbm>>
        %dma_wait3A_504 = arith.constant 0 : i32
        %dma_wait3A_505 = arith.constant 0 : i32
        %dma_wait3A_506 = tpu.memref_slice %arg5[%dma_wait3A_504, %dma_wait3A_505] : memref<1638400x16xf32, #tpu.memory_space<hbm>> -> memref<1024x16xf32, #tpu.memory_space<hbm>>
        tpu.wait_dma2 semaphore(%arg30 : memref<!tpu.dma_semaphore, #tpu.memory_space<semaphore_mem>>) src(%arg13 : memref<1024x16xf32, #tpu.memory_space<vmem>>) dst(%dma_wait3A_506 : memref<1024x16xf32, #tpu.memory_space<hbm>>)
      } else {
      }
      %dma_start3A_414 = arith.constant 0 : i32
      %dma_start3A_415 = arith.constant 0 : i32
      %dma_start3A_416 = tpu.memref_slice %arg13[%dma_start3A_414, %dma_start3A_415] : memref<1024x16xf32, #tpu.memory_space<vmem>> -> memref<128x16xf32, #tpu.memory_space<vmem>>
      %dma_start3A_417 = arith.constant 0 : i32
      %dma_start3A_418 = tpu.memref_slice %arg11[%dma_start3A_417] : memref<1024xi32, #tpu.memory_space<vmem>> -> memref<128xi32, #tpu.memory_space<vmem>>
      %dma_start3A_419 = arith.constant 0 : i32
      %dma_start3A_420 = arith.constant 0 : i32
      %dma_start3A_421 = tpu.memref_slice %arg22[%dma_start3A_419, %dma_start3A_420] : memref<2048x16xf32, #tpu.memory_space<vmem_shared>> -> memref<2048x16xf32, #tpu.memory_space<vmem_shared>>
      tpu.enqueue_indirect_dma source(%dma_start3A_421 : memref<2048x16xf32, #tpu.memory_space<vmem_shared>>) target(%dma_start3A_416 : memref<128x16xf32, #tpu.memory_space<vmem>>) offsets(%dma_start3A_418 : memref<128xi32, #tpu.memory_space<vmem>>) semaphore(%arg28 : memref<!tpu.dma_semaphore, #tpu.memory_space<semaphore_mem>>)
      %dma_start3A_422 = arith.constant 128 : i32
      %dma_start3A_423 = arith.constant 0 : i32
      %dma_start3A_424 = tpu.memref_slice %arg13[%dma_start3A_422, %dma_start3A_423] : memref<1024x16xf32, #tpu.memory_space<vmem>> -> memref<128x16xf32, #tpu.memory_space<vmem>>
      %dma_start3A_425 = arith.constant 128 : i32
      %dma_start3A_426 = tpu.memref_slice %arg11[%dma_start3A_425] : memref<1024xi32, #tpu.memory_space<vmem>> -> memref<128xi32, #tpu.memory_space<vmem>>
      %dma_start3A_427 = arith.constant 0 : i32
      %dma_start3A_428 = arith.constant 0 : i32
      %dma_start3A_429 = tpu.memref_slice %arg22[%dma_start3A_427, %dma_start3A_428] : memref<2048x16xf32, #tpu.memory_space<vmem_shared>> -> memref<2048x16xf32, #tpu.memory_space<vmem_shared>>
      tpu.enqueue_indirect_dma source(%dma_start3A_429 : memref<2048x16xf32, #tpu.memory_space<vmem_shared>>) target(%dma_start3A_424 : memref<128x16xf32, #tpu.memory_space<vmem>>) offsets(%dma_start3A_426 : memref<128xi32, #tpu.memory_space<vmem>>) semaphore(%arg28 : memref<!tpu.dma_semaphore, #tpu.memory_space<semaphore_mem>>)
      %dma_start3A_430 = arith.constant 256 : i32
      %dma_start3A_431 = arith.constant 0 : i32
      %dma_start3A_432 = tpu.memref_slice %arg13[%dma_start3A_430, %dma_start3A_431] : memref<1024x16xf32, #tpu.memory_space<vmem>> -> memref<128x16xf32, #tpu.memory_space<vmem>>
      %dma_start3A_433 = arith.constant 256 : i32
      %dma_start3A_434 = tpu.memref_slice %arg11[%dma_start3A_433] : memref<1024xi32, #tpu.memory_space<vmem>> -> memref<128xi32, #tpu.memory_space<vmem>>
      %dma_start3A_435 = arith.constant 0 : i32
      %dma_start3A_436 = arith.constant 0 : i32
      %dma_start3A_437 = tpu.memref_slice %arg22[%dma_start3A_435, %dma_start3A_436] : memref<2048x16xf32, #tpu.memory_space<vmem_shared>> -> memref<2048x16xf32, #tpu.memory_space<vmem_shared>>
      tpu.enqueue_indirect_dma source(%dma_start3A_437 : memref<2048x16xf32, #tpu.memory_space<vmem_shared>>) target(%dma_start3A_432 : memref<128x16xf32, #tpu.memory_space<vmem>>) offsets(%dma_start3A_434 : memref<128xi32, #tpu.memory_space<vmem>>) semaphore(%arg28 : memref<!tpu.dma_semaphore, #tpu.memory_space<semaphore_mem>>)
      %dma_start3A_438 = arith.constant 384 : i32
      %dma_start3A_439 = arith.constant 0 : i32
      %dma_start3A_440 = tpu.memref_slice %arg13[%dma_start3A_438, %dma_start3A_439] : memref<1024x16xf32, #tpu.memory_space<vmem>> -> memref<128x16xf32, #tpu.memory_space<vmem>>
      %dma_start3A_441 = arith.constant 384 : i32
      %dma_start3A_442 = tpu.memref_slice %arg11[%dma_start3A_441] : memref<1024xi32, #tpu.memory_space<vmem>> -> memref<128xi32, #tpu.memory_space<vmem>>
      %dma_start3A_443 = arith.constant 0 : i32
      %dma_start3A_444 = arith.constant 0 : i32
      %dma_start3A_445 = tpu.memref_slice %arg22[%dma_start3A_443, %dma_start3A_444] : memref<2048x16xf32, #tpu.memory_space<vmem_shared>> -> memref<2048x16xf32, #tpu.memory_space<vmem_shared>>
      tpu.enqueue_indirect_dma source(%dma_start3A_445 : memref<2048x16xf32, #tpu.memory_space<vmem_shared>>) target(%dma_start3A_440 : memref<128x16xf32, #tpu.memory_space<vmem>>) offsets(%dma_start3A_442 : memref<128xi32, #tpu.memory_space<vmem>>) semaphore(%arg28 : memref<!tpu.dma_semaphore, #tpu.memory_space<semaphore_mem>>)
      %dma_start3A_446 = arith.constant 512 : i32
      %dma_start3A_447 = arith.constant 0 : i32
      %dma_start3A_448 = tpu.memref_slice %arg13[%dma_start3A_446, %dma_start3A_447] : memref<1024x16xf32, #tpu.memory_space<vmem>> -> memref<128x16xf32, #tpu.memory_space<vmem>>
      %dma_start3A_449 = arith.constant 512 : i32
      %dma_start3A_450 = tpu.memref_slice %arg11[%dma_start3A_449] : memref<1024xi32, #tpu.memory_space<vmem>> -> memref<128xi32, #tpu.memory_space<vmem>>
      %dma_start3A_451 = arith.constant 0 : i32
      %dma_start3A_452 = arith.constant 0 : i32
      %dma_start3A_453 = tpu.memref_slice %arg22[%dma_start3A_451, %dma_start3A_452] : memref<2048x16xf32, #tpu.memory_space<vmem_shared>> -> memref<2048x16xf32, #tpu.memory_space<vmem_shared>>
      tpu.enqueue_indirect_dma source(%dma_start3A_453 : memref<2048x16xf32, #tpu.memory_space<vmem_shared>>) target(%dma_start3A_448 : memref<128x16xf32, #tpu.memory_space<vmem>>) offsets(%dma_start3A_450 : memref<128xi32, #tpu.memory_space<vmem>>) semaphore(%arg28 : memref<!tpu.dma_semaphore, #tpu.memory_space<semaphore_mem>>)
      %dma_start3A_454 = arith.constant 640 : i32
      %dma_start3A_455 = arith.constant 0 : i32
      %dma_start3A_456 = tpu.memref_slice %arg13[%dma_start3A_454, %dma_start3A_455] : memref<1024x16xf32, #tpu.memory_space<vmem>> -> memref<128x16xf32, #tpu.memory_space<vmem>>
      %dma_start3A_457 = arith.constant 640 : i32
      %dma_start3A_458 = tpu.memref_slice %arg11[%dma_start3A_457] : memref<1024xi32, #tpu.memory_space<vmem>> -> memref<128xi32, #tpu.memory_space<vmem>>
      %dma_start3A_459 = arith.constant 0 : i32
      %dma_start3A_460 = arith.constant 0 : i32
      %dma_start3A_461 = tpu.memref_slice %arg22[%dma_start3A_459, %dma_start3A_460] : memref<2048x16xf32, #tpu.memory_space<vmem_shared>> -> memref<2048x16xf32, #tpu.memory_space<vmem_shared>>
      tpu.enqueue_indirect_dma source(%dma_start3A_461 : memref<2048x16xf32, #tpu.memory_space<vmem_shared>>) target(%dma_start3A_456 : memref<128x16xf32, #tpu.memory_space<vmem>>) offsets(%dma_start3A_458 : memref<128xi32, #tpu.memory_space<vmem>>) semaphore(%arg28 : memref<!tpu.dma_semaphore, #tpu.memory_space<semaphore_mem>>)
      %dma_start3A_462 = arith.constant 768 : i32
      %dma_start3A_463 = arith.constant 0 : i32
      %dma_start3A_464 = tpu.memref_slice %arg13[%dma_start3A_462, %dma_start3A_463] : memref<1024x16xf32, #tpu.memory_space<vmem>> -> memref<128x16xf32, #tpu.memory_space<vmem>>
      %dma_start3A_465 = arith.constant 768 : i32
      %dma_start3A_466 = tpu.memref_slice %arg11[%dma_start3A_465] : memref<1024xi32, #tpu.memory_space<vmem>> -> memref<128xi32, #tpu.memory_space<vmem>>
      %dma_start3A_467 = arith.constant 0 : i32
      %dma_start3A_468 = arith.constant 0 : i32
      %dma_start3A_469 = tpu.memref_slice %arg22[%dma_start3A_467, %dma_start3A_468] : memref<2048x16xf32, #tpu.memory_space<vmem_shared>> -> memref<2048x16xf32, #tpu.memory_space<vmem_shared>>
      tpu.enqueue_indirect_dma source(%dma_start3A_469 : memref<2048x16xf32, #tpu.memory_space<vmem_shared>>) target(%dma_start3A_464 : memref<128x16xf32, #tpu.memory_space<vmem>>) offsets(%dma_start3A_466 : memref<128xi32, #tpu.memory_space<vmem>>) semaphore(%arg28 : memref<!tpu.dma_semaphore, #tpu.memory_space<semaphore_mem>>)
      %dma_start3A_470 = arith.constant 896 : i32
      %dma_start3A_471 = arith.constant 0 : i32
      %dma_start3A_472 = tpu.memref_slice %arg13[%dma_start3A_470, %dma_start3A_471] : memref<1024x16xf32, #tpu.memory_space<vmem>> -> memref<128x16xf32, #tpu.memory_space<vmem>>
      %dma_start3A_473 = arith.constant 896 : i32
      %dma_start3A_474 = tpu.memref_slice %arg11[%dma_start3A_473] : memref<1024xi32, #tpu.memory_space<vmem>> -> memref<128xi32, #tpu.memory_space<vmem>>
      %dma_start3A_475 = arith.constant 0 : i32
      %dma_start3A_476 = arith.constant 0 : i32
      %dma_start3A_477 = tpu.memref_slice %arg22[%dma_start3A_475, %dma_start3A_476] : memref<2048x16xf32, #tpu.memory_space<vmem_shared>> -> memref<2048x16xf32, #tpu.memory_space<vmem_shared>>
      tpu.enqueue_indirect_dma source(%dma_start3A_477 : memref<2048x16xf32, #tpu.memory_space<vmem_shared>>) target(%dma_start3A_472 : memref<128x16xf32, #tpu.memory_space<vmem>>) offsets(%dma_start3A_474 : memref<128xi32, #tpu.memory_space<vmem>>) semaphore(%arg28 : memref<!tpu.dma_semaphore, #tpu.memory_space<semaphore_mem>>)
      %lt3A_478 = arith.constant 24 : i32
      %lt3A_479 = arith.cmpi slt, %add3A_218, %lt3A_478 : i32
      %convert_element_type3A_480 = arith.extui %lt3A_479 : i1 to i32
      %cond3A_481 = arith.constant 0 : i32
      %cond3A_482 = arith.cmpi ne, %convert_element_type3A_480, %cond3A_481 : i32
      scf.if %cond3A_482 {
        %dma_wait3A_501 = arith.constant 0 : i32
        %dma_wait3A_502 = tpu.memref_slice %arg2[%dma_wait3A_501] : memref<204800xi32, #tpu.memory_space<hbm>> -> memref<128xi32, #tpu.memory_space<hbm>>
        %dma_wait3A_503 = arith.constant 0 : i32
        %dma_wait3A_504 = tpu.memref_slice %arg2[%dma_wait3A_503] : memref<204800xi32, #tpu.memory_space<hbm>> -> memref<128xi32, #tpu.memory_space<hbm>>
        tpu.wait_dma2 semaphore(%arg23 : memref<!tpu.dma_semaphore, #tpu.memory_space<semaphore_mem>>) src(%dma_wait3A_504 : memref<128xi32, #tpu.memory_space<hbm>>) dst(%arg6 : memref<128xi32, #tpu.memory_space<vmem>>)
        %dma_start3A_505 = arith.constant 0 : i32
        %dma_start3A_506 = arith.constant 0 : i32
        %dma_start3A_507 = tpu.memref_slice %arg8[%dma_start3A_505, %dma_start3A_506] : memref<8x128xi32, #tpu.memory_space<vmem>> -> memref<1x128xi32, #tpu.memory_space<vmem>>
        %dma_start3A_508 = tpu.memref_squeeze %dma_start3A_507 : memref<1x128xi32, #tpu.memory_space<vmem>> -> memref<128xi32, #tpu.memory_space<vmem>>
        %dma_start3A_509 = arith.constant 0 : i32
        %dma_start3A_510 = tpu.memref_slice %arg14[%dma_start3A_509] : memref<100000xi32, #tpu.memory_space<vmem_shared>> -> memref<100000xi32, #tpu.memory_space<vmem_shared>>
        tpu.enqueue_indirect_dma source(%dma_start3A_510 : memref<100000xi32, #tpu.memory_space<vmem_shared>>) target(%dma_start3A_508 : memref<128xi32, #tpu.memory_space<vmem>>) offsets(%arg6 : memref<128xi32, #tpu.memory_space<vmem>>) semaphore(%arg25 : memref<!tpu.dma_semaphore, #tpu.memory_space<semaphore_mem>>)
        %dma_start3A_511 = arith.constant 1 : i32
        %dma_start3A_512 = arith.constant 0 : i32
        %dma_start3A_513 = tpu.memref_slice %arg8[%dma_start3A_511, %dma_start3A_512] : memref<8x128xi32, #tpu.memory_space<vmem>> -> memref<1x128xi32, #tpu.memory_space<vmem>>
        %dma_start3A_514 = tpu.memref_squeeze %dma_start3A_513 : memref<1x128xi32, #tpu.memory_space<vmem>> -> memref<128xi32, #tpu.memory_space<vmem>>
        %dma_start3A_515 = arith.constant 0 : i32
        %dma_start3A_516 = tpu.memref_slice %arg15[%dma_start3A_515] : memref<100000xi32, #tpu.memory_space<vmem_shared>> -> memref<100000xi32, #tpu.memory_space<vmem_shared>>
        tpu.enqueue_indirect_dma source(%dma_start3A_516 : memref<100000xi32, #tpu.memory_space<vmem_shared>>) target(%dma_start3A_514 : memref<128xi32, #tpu.memory_space<vmem>>) offsets(%arg6 : memref<128xi32, #tpu.memory_space<vmem>>) semaphore(%arg25 : memref<!tpu.dma_semaphore, #tpu.memory_space<semaphore_mem>>)
        %dma_start3A_517 = arith.constant 2 : i32
        %dma_start3A_518 = arith.constant 0 : i32
        %dma_start3A_519 = tpu.memref_slice %arg8[%dma_start3A_517, %dma_start3A_518] : memref<8x128xi32, #tpu.memory_space<vmem>> -> memref<1x128xi32, #tpu.memory_space<vmem>>
        %dma_start3A_520 = tpu.memref_squeeze %dma_start3A_519 : memref<1x128xi32, #tpu.memory_space<vmem>> -> memref<128xi32, #tpu.memory_space<vmem>>
        %dma_start3A_521 = arith.constant 0 : i32
        %dma_start3A_522 = tpu.memref_slice %arg16[%dma_start3A_521] : memref<100000xi32, #tpu.memory_space<vmem_shared>> -> memref<100000xi32, #tpu.memory_space<vmem_shared>>
        tpu.enqueue_indirect_dma source(%dma_start3A_522 : memref<100000xi32, #tpu.memory_space<vmem_shared>>) target(%dma_start3A_520 : memref<128xi32, #tpu.memory_space<vmem>>) offsets(%arg6 : memref<128xi32, #tpu.memory_space<vmem>>) semaphore(%arg25 : memref<!tpu.dma_semaphore, #tpu.memory_space<semaphore_mem>>)
        %dma_start3A_523 = arith.constant 3 : i32
        %dma_start3A_524 = arith.constant 0 : i32
        %dma_start3A_525 = tpu.memref_slice %arg8[%dma_start3A_523, %dma_start3A_524] : memref<8x128xi32, #tpu.memory_space<vmem>> -> memref<1x128xi32, #tpu.memory_space<vmem>>
        %dma_start3A_526 = tpu.memref_squeeze %dma_start3A_525 : memref<1x128xi32, #tpu.memory_space<vmem>> -> memref<128xi32, #tpu.memory_space<vmem>>
        %dma_start3A_527 = arith.constant 0 : i32
        %dma_start3A_528 = tpu.memref_slice %arg17[%dma_start3A_527] : memref<100000xi32, #tpu.memory_space<vmem_shared>> -> memref<100000xi32, #tpu.memory_space<vmem_shared>>
        tpu.enqueue_indirect_dma source(%dma_start3A_528 : memref<100000xi32, #tpu.memory_space<vmem_shared>>) target(%dma_start3A_526 : memref<128xi32, #tpu.memory_space<vmem>>) offsets(%arg6 : memref<128xi32, #tpu.memory_space<vmem>>) semaphore(%arg25 : memref<!tpu.dma_semaphore, #tpu.memory_space<semaphore_mem>>)
        %dma_start3A_529 = arith.constant 4 : i32
        %dma_start3A_530 = arith.constant 0 : i32
        %dma_start3A_531 = tpu.memref_slice %arg8[%dma_start3A_529, %dma_start3A_530] : memref<8x128xi32, #tpu.memory_space<vmem>> -> memref<1x128xi32, #tpu.memory_space<vmem>>
        %dma_start3A_532 = tpu.memref_squeeze %dma_start3A_531 : memref<1x128xi32, #tpu.memory_space<vmem>> -> memref<128xi32, #tpu.memory_space<vmem>>
        %dma_start3A_533 = arith.constant 0 : i32
        %dma_start3A_534 = tpu.memref_slice %arg18[%dma_start3A_533] : memref<100000xi32, #tpu.memory_space<vmem_shared>> -> memref<100000xi32, #tpu.memory_space<vmem_shared>>
        tpu.enqueue_indirect_dma source(%dma_start3A_534 : memref<100000xi32, #tpu.memory_space<vmem_shared>>) target(%dma_start3A_532 : memref<128xi32, #tpu.memory_space<vmem>>) offsets(%arg6 : memref<128xi32, #tpu.memory_space<vmem>>) semaphore(%arg25 : memref<!tpu.dma_semaphore, #tpu.memory_space<semaphore_mem>>)
        %dma_start3A_535 = arith.constant 5 : i32
        %dma_start3A_536 = arith.constant 0 : i32
        %dma_start3A_537 = tpu.memref_slice %arg8[%dma_start3A_535, %dma_start3A_536] : memref<8x128xi32, #tpu.memory_space<vmem>> -> memref<1x128xi32, #tpu.memory_space<vmem>>
        %dma_start3A_538 = tpu.memref_squeeze %dma_start3A_537 : memref<1x128xi32, #tpu.memory_space<vmem>> -> memref<128xi32, #tpu.memory_space<vmem>>
        %dma_start3A_539 = arith.constant 0 : i32
        %dma_start3A_540 = tpu.memref_slice %arg19[%dma_start3A_539] : memref<100000xi32, #tpu.memory_space<vmem_shared>> -> memref<100000xi32, #tpu.memory_space<vmem_shared>>
        tpu.enqueue_indirect_dma source(%dma_start3A_540 : memref<100000xi32, #tpu.memory_space<vmem_shared>>) target(%dma_start3A_538 : memref<128xi32, #tpu.memory_space<vmem>>) offsets(%arg6 : memref<128xi32, #tpu.memory_space<vmem>>) semaphore(%arg25 : memref<!tpu.dma_semaphore, #tpu.memory_space<semaphore_mem>>)
        %dma_start3A_541 = arith.constant 6 : i32
        %dma_start3A_542 = arith.constant 0 : i32
        %dma_start3A_543 = tpu.memref_slice %arg8[%dma_start3A_541, %dma_start3A_542] : memref<8x128xi32, #tpu.memory_space<vmem>> -> memref<1x128xi32, #tpu.memory_space<vmem>>
        %dma_start3A_544 = tpu.memref_squeeze %dma_start3A_543 : memref<1x128xi32, #tpu.memory_space<vmem>> -> memref<128xi32, #tpu.memory_space<vmem>>
        %dma_start3A_545 = arith.constant 0 : i32
        %dma_start3A_546 = tpu.memref_slice %arg20[%dma_start3A_545] : memref<100000xi32, #tpu.memory_space<vmem_shared>> -> memref<100000xi32, #tpu.memory_space<vmem_shared>>
        tpu.enqueue_indirect_dma source(%dma_start3A_546 : memref<100000xi32, #tpu.memory_space<vmem_shared>>) target(%dma_start3A_544 : memref<128xi32, #tpu.memory_space<vmem>>) offsets(%arg6 : memref<128xi32, #tpu.memory_space<vmem>>) semaphore(%arg25 : memref<!tpu.dma_semaphore, #tpu.memory_space<semaphore_mem>>)
        %dma_start3A_547 = arith.constant 7 : i32
        %dma_start3A_548 = arith.constant 0 : i32
        %dma_start3A_549 = tpu.memref_slice %arg8[%dma_start3A_547, %dma_start3A_548] : memref<8x128xi32, #tpu.memory_space<vmem>> -> memref<1x128xi32, #tpu.memory_space<vmem>>
        %dma_start3A_550 = tpu.memref_squeeze %dma_start3A_549 : memref<1x128xi32, #tpu.memory_space<vmem>> -> memref<128xi32, #tpu.memory_space<vmem>>
        %dma_start3A_551 = arith.constant 0 : i32
        %dma_start3A_552 = tpu.memref_slice %arg21[%dma_start3A_551] : memref<100000xi32, #tpu.memory_space<vmem_shared>> -> memref<100000xi32, #tpu.memory_space<vmem_shared>>
        tpu.enqueue_indirect_dma source(%dma_start3A_552 : memref<100000xi32, #tpu.memory_space<vmem_shared>>) target(%dma_start3A_550 : memref<128xi32, #tpu.memory_space<vmem>>) offsets(%arg6 : memref<128xi32, #tpu.memory_space<vmem>>) semaphore(%arg25 : memref<!tpu.dma_semaphore, #tpu.memory_space<semaphore_mem>>)
        %dma_wait3A_553 = arith.constant 0 : i32
        %dma_wait3A_554 = tpu.memref_slice %arg2[%dma_wait3A_553] : memref<204800xi32, #tpu.memory_space<hbm>> -> memref<128xi32, #tpu.memory_space<hbm>>
        %dma_wait3A_555 = arith.constant 0 : i32
        %dma_wait3A_556 = tpu.memref_slice %arg2[%dma_wait3A_555] : memref<204800xi32, #tpu.memory_space<hbm>> -> memref<128xi32, #tpu.memory_space<hbm>>
        tpu.wait_dma2 semaphore(%arg24 : memref<!tpu.dma_semaphore, #tpu.memory_space<semaphore_mem>>) src(%dma_wait3A_556 : memref<128xi32, #tpu.memory_space<hbm>>) dst(%arg7 : memref<128xi32, #tpu.memory_space<vmem>>)
        %dma_start3A_557 = arith.constant 0 : i32
        %dma_start3A_558 = arith.constant 0 : i32
        %dma_start3A_559 = tpu.memref_slice %arg9[%dma_start3A_557, %dma_start3A_558] : memref<8x128xi32, #tpu.memory_space<vmem>> -> memref<1x128xi32, #tpu.memory_space<vmem>>
        %dma_start3A_560 = tpu.memref_squeeze %dma_start3A_559 : memref<1x128xi32, #tpu.memory_space<vmem>> -> memref<128xi32, #tpu.memory_space<vmem>>
        %dma_start3A_561 = arith.constant 0 : i32
        %dma_start3A_562 = tpu.memref_slice %arg14[%dma_start3A_561] : memref<100000xi32, #tpu.memory_space<vmem_shared>> -> memref<100000xi32, #tpu.memory_space<vmem_shared>>
        tpu.enqueue_indirect_dma source(%dma_start3A_562 : memref<100000xi32, #tpu.memory_space<vmem_shared>>) target(%dma_start3A_560 : memref<128xi32, #tpu.memory_space<vmem>>) offsets(%arg7 : memref<128xi32, #tpu.memory_space<vmem>>) semaphore(%arg26 : memref<!tpu.dma_semaphore, #tpu.memory_space<semaphore_mem>>)
        %dma_start3A_563 = arith.constant 1 : i32
        %dma_start3A_564 = arith.constant 0 : i32
        %dma_start3A_565 = tpu.memref_slice %arg9[%dma_start3A_563, %dma_start3A_564] : memref<8x128xi32, #tpu.memory_space<vmem>> -> memref<1x128xi32, #tpu.memory_space<vmem>>
        %dma_start3A_566 = tpu.memref_squeeze %dma_start3A_565 : memref<1x128xi32, #tpu.memory_space<vmem>> -> memref<128xi32, #tpu.memory_space<vmem>>
        %dma_start3A_567 = arith.constant 0 : i32
        %dma_start3A_568 = tpu.memref_slice %arg15[%dma_start3A_567] : memref<100000xi32, #tpu.memory_space<vmem_shared>> -> memref<100000xi32, #tpu.memory_space<vmem_shared>>
        tpu.enqueue_indirect_dma source(%dma_start3A_568 : memref<100000xi32, #tpu.memory_space<vmem_shared>>) target(%dma_start3A_566 : memref<128xi32, #tpu.memory_space<vmem>>) offsets(%arg7 : memref<128xi32, #tpu.memory_space<vmem>>) semaphore(%arg26 : memref<!tpu.dma_semaphore, #tpu.memory_space<semaphore_mem>>)
        %dma_start3A_569 = arith.constant 2 : i32
        %dma_start3A_570 = arith.constant 0 : i32
        %dma_start3A_571 = tpu.memref_slice %arg9[%dma_start3A_569, %dma_start3A_570] : memref<8x128xi32, #tpu.memory_space<vmem>> -> memref<1x128xi32, #tpu.memory_space<vmem>>
        %dma_start3A_572 = tpu.memref_squeeze %dma_start3A_571 : memref<1x128xi32, #tpu.memory_space<vmem>> -> memref<128xi32, #tpu.memory_space<vmem>>
        %dma_start3A_573 = arith.constant 0 : i32
        %dma_start3A_574 = tpu.memref_slice %arg16[%dma_start3A_573] : memref<100000xi32, #tpu.memory_space<vmem_shared>> -> memref<100000xi32, #tpu.memory_space<vmem_shared>>
        tpu.enqueue_indirect_dma source(%dma_start3A_574 : memref<100000xi32, #tpu.memory_space<vmem_shared>>) target(%dma_start3A_572 : memref<128xi32, #tpu.memory_space<vmem>>) offsets(%arg7 : memref<128xi32, #tpu.memory_space<vmem>>) semaphore(%arg26 : memref<!tpu.dma_semaphore, #tpu.memory_space<semaphore_mem>>)
        %dma_start3A_575 = arith.constant 3 : i32
        %dma_start3A_576 = arith.constant 0 : i32
        %dma_start3A_577 = tpu.memref_slice %arg9[%dma_start3A_575, %dma_start3A_576] : memref<8x128xi32, #tpu.memory_space<vmem>> -> memref<1x128xi32, #tpu.memory_space<vmem>>
        %dma_start3A_578 = tpu.memref_squeeze %dma_start3A_577 : memref<1x128xi32, #tpu.memory_space<vmem>> -> memref<128xi32, #tpu.memory_space<vmem>>
        %dma_start3A_579 = arith.constant 0 : i32
        %dma_start3A_580 = tpu.memref_slice %arg17[%dma_start3A_579] : memref<100000xi32, #tpu.memory_space<vmem_shared>> -> memref<100000xi32, #tpu.memory_space<vmem_shared>>
        tpu.enqueue_indirect_dma source(%dma_start3A_580 : memref<100000xi32, #tpu.memory_space<vmem_shared>>) target(%dma_start3A_578 : memref<128xi32, #tpu.memory_space<vmem>>) offsets(%arg7 : memref<128xi32, #tpu.memory_space<vmem>>) semaphore(%arg26 : memref<!tpu.dma_semaphore, #tpu.memory_space<semaphore_mem>>)
        %dma_start3A_581 = arith.constant 4 : i32
        %dma_start3A_582 = arith.constant 0 : i32
        %dma_start3A_583 = tpu.memref_slice %arg9[%dma_start3A_581, %dma_start3A_582] : memref<8x128xi32, #tpu.memory_space<vmem>> -> memref<1x128xi32, #tpu.memory_space<vmem>>
        %dma_start3A_584 = tpu.memref_squeeze %dma_start3A_583 : memref<1x128xi32, #tpu.memory_space<vmem>> -> memref<128xi32, #tpu.memory_space<vmem>>
        %dma_start3A_585 = arith.constant 0 : i32
        %dma_start3A_586 = tpu.memref_slice %arg18[%dma_start3A_585] : memref<100000xi32, #tpu.memory_space<vmem_shared>> -> memref<100000xi32, #tpu.memory_space<vmem_shared>>
        tpu.enqueue_indirect_dma source(%dma_start3A_586 : memref<100000xi32, #tpu.memory_space<vmem_shared>>) target(%dma_start3A_584 : memref<128xi32, #tpu.memory_space<vmem>>) offsets(%arg7 : memref<128xi32, #tpu.memory_space<vmem>>) semaphore(%arg26 : memref<!tpu.dma_semaphore, #tpu.memory_space<semaphore_mem>>)
        %dma_start3A_587 = arith.constant 5 : i32
        %dma_start3A_588 = arith.constant 0 : i32
        %dma_start3A_589 = tpu.memref_slice %arg9[%dma_start3A_587, %dma_start3A_588] : memref<8x128xi32, #tpu.memory_space<vmem>> -> memref<1x128xi32, #tpu.memory_space<vmem>>
        %dma_start3A_590 = tpu.memref_squeeze %dma_start3A_589 : memref<1x128xi32, #tpu.memory_space<vmem>> -> memref<128xi32, #tpu.memory_space<vmem>>
        %dma_start3A_591 = arith.constant 0 : i32
        %dma_start3A_592 = tpu.memref_slice %arg19[%dma_start3A_591] : memref<100000xi32, #tpu.memory_space<vmem_shared>> -> memref<100000xi32, #tpu.memory_space<vmem_shared>>
        tpu.enqueue_indirect_dma source(%dma_start3A_592 : memref<100000xi32, #tpu.memory_space<vmem_shared>>) target(%dma_start3A_590 : memref<128xi32, #tpu.memory_space<vmem>>) offsets(%arg7 : memref<128xi32, #tpu.memory_space<vmem>>) semaphore(%arg26 : memref<!tpu.dma_semaphore, #tpu.memory_space<semaphore_mem>>)
        %dma_start3A_593 = arith.constant 6 : i32
        %dma_start3A_594 = arith.constant 0 : i32
        %dma_start3A_595 = tpu.memref_slice %arg9[%dma_start3A_593, %dma_start3A_594] : memref<8x128xi32, #tpu.memory_space<vmem>> -> memref<1x128xi32, #tpu.memory_space<vmem>>
        %dma_start3A_596 = tpu.memref_squeeze %dma_start3A_595 : memref<1x128xi32, #tpu.memory_space<vmem>> -> memref<128xi32, #tpu.memory_space<vmem>>
        %dma_start3A_597 = arith.constant 0 : i32
        %dma_start3A_598 = tpu.memref_slice %arg20[%dma_start3A_597] : memref<100000xi32, #tpu.memory_space<vmem_shared>> -> memref<100000xi32, #tpu.memory_space<vmem_shared>>
        tpu.enqueue_indirect_dma source(%dma_start3A_598 : memref<100000xi32, #tpu.memory_space<vmem_shared>>) target(%dma_start3A_596 : memref<128xi32, #tpu.memory_space<vmem>>) offsets(%arg7 : memref<128xi32, #tpu.memory_space<vmem>>) semaphore(%arg26 : memref<!tpu.dma_semaphore, #tpu.memory_space<semaphore_mem>>)
        %dma_start3A_599 = arith.constant 7 : i32
        %dma_start3A_600 = arith.constant 0 : i32
        %dma_start3A_601 = tpu.memref_slice %arg9[%dma_start3A_599, %dma_start3A_600] : memref<8x128xi32, #tpu.memory_space<vmem>> -> memref<1x128xi32, #tpu.memory_space<vmem>>
        %dma_start3A_602 = tpu.memref_squeeze %dma_start3A_601 : memref<1x128xi32, #tpu.memory_space<vmem>> -> memref<128xi32, #tpu.memory_space<vmem>>
        %dma_start3A_603 = arith.constant 0 : i32
        %dma_start3A_604 = tpu.memref_slice %arg21[%dma_start3A_603] : memref<100000xi32, #tpu.memory_space<vmem_shared>> -> memref<100000xi32, #tpu.memory_space<vmem_shared>>
        tpu.enqueue_indirect_dma source(%dma_start3A_604 : memref<100000xi32, #tpu.memory_space<vmem_shared>>) target(%dma_start3A_602 : memref<128xi32, #tpu.memory_space<vmem>>) offsets(%arg7 : memref<128xi32, #tpu.memory_space<vmem>>) semaphore(%arg26 : memref<!tpu.dma_semaphore, #tpu.memory_space<semaphore_mem>>)
      } else {
      }
      %dma_wait3A_483 = arith.constant 0 : i32
      %dma_wait3A_484 = arith.constant 0 : i32
      %dma_wait3A_485 = tpu.memref_slice %arg22[%dma_wait3A_483, %dma_wait3A_484] : memref<2048x16xf32, #tpu.memory_space<vmem_shared>> -> memref<2048x16xf32, #tpu.memory_space<vmem_shared>>
      tpu.wait_indirect_dma semaphore(%arg27 : memref<!tpu.dma_semaphore, #tpu.memory_space<semaphore_mem>>) src(%dma_wait3A_485 : memref<2048x16xf32, #tpu.memory_space<vmem_shared>>) dst(%arg12 : memref<1024x16xf32, #tpu.memory_space<vmem>>)
      %mul3A_486 = arith.constant 8 : i32
      %mul3A_487 = arith.muli %add3A_223, %mul3A_486 : i32
      %dma_start3A_488 = arith.constant 0 : i32
      %dma_start3A_489 = tpu.memref_slice %arg5[%mul3A_487, %dma_start3A_488] : memref<1638400x16xf32, #tpu.memory_space<hbm>> -> memref<1024x16xf32, #tpu.memory_space<hbm>>
      %dma_start3A_490 = arith.constant 0 : i32
      %dma_start3A_491 = tpu.memref_slice %arg5[%mul3A_487, %dma_start3A_490] : memref<1638400x16xf32, #tpu.memory_space<hbm>> -> memref<1024x16xf32, #tpu.memory_space<hbm>>
      tpu.enqueue_dma source(%arg12 : memref<1024x16xf32, #tpu.memory_space<vmem>>) target(%dma_start3A_491 : memref<1024x16xf32, #tpu.memory_space<hbm>>) target_semaphore(%arg29 : memref<!tpu.dma_semaphore, #tpu.memory_space<semaphore_mem>>)
      %dma_wait3A_492 = arith.constant 0 : i32
      %dma_wait3A_493 = arith.constant 0 : i32
      %dma_wait3A_494 = tpu.memref_slice %arg22[%dma_wait3A_492, %dma_wait3A_493] : memref<2048x16xf32, #tpu.memory_space<vmem_shared>> -> memref<2048x16xf32, #tpu.memory_space<vmem_shared>>
      tpu.wait_indirect_dma semaphore(%arg28 : memref<!tpu.dma_semaphore, #tpu.memory_space<semaphore_mem>>) src(%dma_wait3A_494 : memref<2048x16xf32, #tpu.memory_space<vmem_shared>>) dst(%arg13 : memref<1024x16xf32, #tpu.memory_space<vmem>>)
      %mul3A_495 = arith.constant 8 : i32
      %mul3A_496 = arith.muli %add3A_225, %mul3A_495 : i32
      %dma_start3A_497 = arith.constant 0 : i32
      %dma_start3A_498 = tpu.memref_slice %arg5[%mul3A_496, %dma_start3A_497] : memref<1638400x16xf32, #tpu.memory_space<hbm>> -> memref<1024x16xf32, #tpu.memory_space<hbm>>
      %dma_start3A_499 = arith.constant 0 : i32
      %dma_start3A_500 = tpu.memref_slice %arg5[%mul3A_496, %dma_start3A_499] : memref<1638400x16xf32, #tpu.memory_space<hbm>> -> memref<1024x16xf32, #tpu.memory_space<hbm>>
      tpu.enqueue_dma source(%arg13 : memref<1024x16xf32, #tpu.memory_space<vmem>>) target(%dma_start3A_500 : memref<1024x16xf32, #tpu.memory_space<hbm>>) target_semaphore(%arg30 : memref<!tpu.dma_semaphore, #tpu.memory_space<semaphore_mem>>)
    }
    %scan3A_201 = arith.constant 25 : i32
    %dma_wait3A_202 = arith.constant 0 : i32
    %dma_wait3A_203 = arith.constant 0 : i32
    %dma_wait3A_204 = tpu.memref_slice %arg5[%dma_wait3A_202, %dma_wait3A_203] : memref<1638400x16xf32, #tpu.memory_space<hbm>> -> memref<1024x16xf32, #tpu.memory_space<hbm>>
    %dma_wait3A_205 = arith.constant 0 : i32
    %dma_wait3A_206 = arith.constant 0 : i32
    %dma_wait3A_207 = tpu.memref_slice %arg5[%dma_wait3A_205, %dma_wait3A_206] : memref<1638400x16xf32, #tpu.memory_space<hbm>> -> memref<1024x16xf32, #tpu.memory_space<hbm>>
    tpu.wait_dma2 semaphore(%arg29 : memref<!tpu.dma_semaphore, #tpu.memory_space<semaphore_mem>>) src(%arg12 : memref<1024x16xf32, #tpu.memory_space<vmem>>) dst(%dma_wait3A_207 : memref<1024x16xf32, #tpu.memory_space<hbm>>)
    %dma_wait3A_208 = arith.constant 0 : i32
    %dma_wait3A_209 = arith.constant 0 : i32
    %dma_wait3A_210 = tpu.memref_slice %arg5[%dma_wait3A_208, %dma_wait3A_209] : memref<1638400x16xf32, #tpu.memory_space<hbm>> -> memref<1024x16xf32, #tpu.memory_space<hbm>>
    %dma_wait3A_211 = arith.constant 0 : i32
    %dma_wait3A_212 = arith.constant 0 : i32
    %dma_wait3A_213 = tpu.memref_slice %arg5[%dma_wait3A_211, %dma_wait3A_212] : memref<1638400x16xf32, #tpu.memory_space<hbm>> -> memref<1024x16xf32, #tpu.memory_space<hbm>>
    tpu.wait_dma2 semaphore(%arg30 : memref<!tpu.dma_semaphore, #tpu.memory_space<semaphore_mem>>) src(%arg13 : memref<1024x16xf32, #tpu.memory_space<vmem>>) dst(%dma_wait3A_213 : memref<1024x16xf32, #tpu.memory_space<hbm>>)
    return
  }
}

</mosaic_0001>

<sc_bundles>
// kernel: kernel.3.cloned.1.call-start
scs
__scs_entry_jumppad:
0x0: {  	(pc) =	sbr.rel $0x88, $3  }
0x1: {  	(tag) =	ssettag $0x0;
	lr =	simm.s32 $0x1  }
0x2: {  	[smem:$0x3F9E] =	sst lr;
	_ =	strace $0xD0000000  }
0x3: {  	_ = 	snop  }
0x4: {  	_ = 	snop  }
0x5: {  	_ = 	snop  }
0x6: {  	_ = 	snop  }
0x7: {  	_ = 	snop  }
__scs_overlays_trampoline_lowered:
0x8: {  	[smem:$0x3FAD] =	sst s0  }
0x9: {  	[smem:$0x3FAE] =	sst s1  }
0xa: {  	[smem:$0x3FAF] =	sst s2  }
0xb: {  	[smem:$0x3FB0] =	sst s3  }
0xc: {  	[smem:$0x3FB1] =	sst s4  }
0xd: {  	[smem:$0x3FB2] =	sst s5  }
0xe: {  	[smem:$0x3FB3] =	sst s6  }
0xf: {  	[smem:$0x3FB4] =	sst s7  }
0x10: {  	[smem:$0x3FB5] =	sst s8  }
0x11: {  	[smem:$0x3FB6] =	sst s9;
	s0 =	simm.s32 @!p0 $0x0  }
0x12: {  	s1 =	sld [smem:$0x3F9C];
	s0 =	simm.s32 @p0 $0x1  }
0x13: {  	[smem:$0x3FB7] =	sst s0;
	s0 =	simm.s32 @!p1 $0x0  }
0x14: {  	s2 =	sld [smem:$0x3F9B];
	s0 =	simm.s32 @p1 $0x1  }
0x15: {  	[smem:$0x3FB8] =	sst s0;
	s0 =	simm.s32 @!p2 $0x0  }
0x16: {  	s3 =	sld [smem:$0x3FDB];
	s0 =	simm.s32 @p2 $0x1  }
0x17: {  	s4 =	simm.s32 $0x1BF5;
	[smem:$0x3FBA] =	sst s0  }
0x18: {  	s0 =	sld [smem:$0x3F9D];
	_ =	swait.ge [sflag:s4], $0x0  }
0x19: {  	s7 =	sld [smem:$0x3F9E]  }
0x1a: {  	s8 =	sadd.s32 $0xFFFFE003, lr  }
0x1b: {  	s9 =	sadd.s32 $0xFFFFFEF7, lr;
	s5 =	simm.s32 $0xFFFFFFFF;
	p2 =	slt.u32 s8, $0xFFFFF086  }
0x1c: {  	p1 =	slt.u32 s9, $0xF7A;
	s5 =	simm.s32 @!p2 $0x0  }
0x1d: {  	s5 =	simm.s32 @p1 $0x1;
	p0 =	seq.s32 s7, s2  }
0x1e: {  	s7 =	smul.u32 @!p0 $0xF7A, s2;
	p2 =	seq.s32 @!p0 s5, $0x0  }
0x1f: {  	s9 =	smul.u32 $0xF7A, s1;
	s8 =	simm.s32 @!p0 $0x1BF5;
	p2 =	por !p2, p0  }
0x20: {  	[sflag:s8] =	ssyncset.s32 @!p0 $0xFFFFF086;
	s6 =	sadd.s32 @!p0 s3, s7;
	s7 =	simm.s32 @!p0 $0x108  }
0x21: {  	s3 =	sadd.s32 s3, s9;
	s6 =	sadd.s32 @!p0 $0x88, s6;
	s7 =	simm.s32 @p2 $0x1082  }
0x22: {  	[simem:s7], [sflag:s8] =	dma.local @!p0 [hbm:s6], $0xF7A  }
0x23: {  	s9 =	sor.u32 $0xD0000000, s2;
	s6 =	simm.s32 $0x108;
	_ =	swait.ge @!p0 [sflag:s8], $0x0  }
0x24: {  	s3 =	sadd.s32 $0x88, s3;
	s6 =	simm.s32 @!p1 $0x1082;
	[sflag:s4] =	ssyncset.s32 $0xFFFFF086  }
0x25: {  	[simem:s6], [sflag:s4] =	dma.local [hbm:s3], $0xF7A  }
0x26: {  	[smem:$0x3F9E] =	sst s1;
	(tag) =	ssettag s2;
	_ =	strace s9  }
0x27: {  	s1 =	sld [smem:$0x3FAE]  }
0x28: {  	s2 =	sld [smem:$0x3FAF]  }
0x29: {  	s4 =	sld [smem:$0x3FB1]  }
0x2a: {  	p0 =	seq.s32 s5, $0x0;
	s5 =	sld [smem:$0x3FB2]  }
0x2b: {  	s6 =	sld [smem:$0x3FB3]  }
0x2c: {  	s7 =	sld [smem:$0x3FB4]  }
0x2d: {  	s3 =	simm.s32 $0x108;
	s8 =	sld [smem:$0x3FB5]  }
0x2e: {  	s3 =	simm.s32 @!p0 $0x1082;
	s9 =	sld [smem:$0x3FB6]  }
0x2f: {  	lr =	sadd.s32 s0, s3;
	s0 =	sld [smem:$0x3FAD]  }
0x30: {  	s3 =	sld [smem:$0x3FB0]  }
0x31: {  	[smem:$0x3FB9] =	sst s10  }
0x32: {  	s10 =	sld [smem:$0x3FB7];
	_ =	sdelay $0x3  }
0x33: {  	p0 =	seq.s32 s10, $0x1;
	s10 =	sld [smem:$0x3FB9];
	_ =	sdelay $0x3  }
0x34: {  	[smem:$0x3FB9] =	sst s10  }
0x35: {  	s10 =	sld [smem:$0x3FB8];
	_ =	sdelay $0x3  }
0x36: {  	p1 =	seq.s32 s10, $0x1;
	s10 =	sld [smem:$0x3FB9];
	_ =	sdelay $0x3  }
0x37: {  	[smem:$0x3FB9] =	sst s10  }
0x38: {  	s10 =	sld [smem:$0x3FBA]  }
0x39: {  	_ = 	snop;
	(pc) =	sbr.ind lr, $3  }
0x3a: {  	_ = 	snop  }
0x3b: {  	_ = 	snop  }
0x3c: {  	p2 =	seq.s32 s10, $0x1;
	s10 =	sld [smem:$0x3FB9]  }
0x3d: {  	_ =	shalt  }
0x3e: {  	_ =	shalt  }
0x3f: {  	_ =	shalt  }
0x40: {  	_ =	shalt  }
0x41: {  	_ =	shalt  }
0x42: {  	_ =	shalt  }
0x43: {  	_ =	shalt  }
0x44: {  	_ =	shalt  }
0x45: {  	_ =	shalt  }
0x46: {  	_ =	shalt  }
0x47: {  	_ =	shalt  }
0x48: {  	_ =	shalt  }
0x49: {  	_ =	shalt  }
0x4a: {  	_ =	shalt  }
0x4b: {  	_ =	shalt  }
0x4c: {  	_ =	shalt  }
0x4d: {  	_ =	shalt  }
0x4e: {  	_ =	shalt  }
0x4f: {  	_ =	shalt  }
0x50: {  	_ =	shalt  }
0x51: {  	_ =	shalt  }
0x52: {  	_ =	shalt  }
0x53: {  	_ =	shalt  }
0x54: {  	_ =	shalt  }
0x55: {  	_ =	shalt  }
0x56: {  	_ =	shalt  }
0x57: {  	_ =	shalt  }
0x58: {  	_ =	shalt  }
0x59: {  	_ =	shalt  }
0x5a: {  	_ =	shalt  }
0x5b: {  	_ =	shalt  }
0x5c: {  	_ =	shalt  }
0x5d: {  	_ =	shalt  }
0x5e: {  	_ =	shalt  }
0x5f: {  	_ =	shalt  }
0x60: {  	_ =	shalt  }
0x61: {  	_ =	shalt  }
0x62: {  	_ =	shalt  }
0x63: {  	_ =	shalt  }
0x64: {  	_ =	shalt  }
0x65: {  	_ =	shalt  }
0x66: {  	_ =	shalt  }
0x67: {  	_ =	shalt  }
0x68: {  	_ =	shalt  }
0x69: {  	_ =	shalt  }
0x6a: {  	_ =	shalt  }
0x6b: {  	_ =	shalt  }
0x6c: {  	_ =	shalt  }
0x6d: {  	_ =	shalt  }
0x6e: {  	_ =	shalt  }
0x6f: {  	_ =	shalt  }
0x70: {  	_ =	shalt  }
0x71: {  	_ =	shalt  }
0x72: {  	_ =	shalt  }
0x73: {  	_ =	shalt  }
0x74: {  	_ =	shalt  }
0x75: {  	_ =	shalt  }
0x76: {  	_ =	shalt  }
0x77: {  	_ =	shalt  }
0x78: {  	_ =	shalt  }
0x79: {  	_ =	shalt  }
0x7a: {  	_ =	shalt  }
0x7b: {  	_ =	shalt  }
0x7c: {  	_ =	shalt  }
0x7d: {  	_ =	shalt  }
0x7e: {  	_ =	shalt  }
0x7f: {  	_ =	shalt  }
0x80: {  	_ =	shalt  }
0x81: {  	_ =	shalt  }
0x82: {  	_ =	shalt  }
0x83: {  	_ =	shalt  }
0x84: {  	_ =	shalt  }
0x85: {  	_ =	shalt  }
0x86: {  	_ =	shalt  }
0x87: {  	_ =	shalt  }
.Lfunc_end0:
.L_simem_size_0:
called_computation_lowered:
.L_overlay_start_0:
0x88: {  	s2 =	sld [smem:$0x3FD9]  }
0x89: {  	s3 =	sld [smem:$0x3FFE];
	_ =	sdelay $0x1  }
0x8a: {  	s1 =	srdreg.scid  }
0x8b: {  	s0 =	sand.u32 $0x1, s1  }
0x8c: {  	s17 =	sshll.u32 s0, $0xA;
	s2 =	sadd.s32 s3, s2  }
0x8d: {  	s2 =	sadd.s32 s2, s17  }
0x8e: {  	[smem:$0x3FC5] =	sst s2  }
0x8f: {  	_ = 	snop  }
0x90: {  	s2 =	sld [smem:$0x3FD0];
	(tm) =	ssettm $0x1  }
0x91: {  	s18 =	sld [smem:$0x3FFB];
	_ =	sdelay $0x3  }
0x92: {  	_ =	strace s18  }
0x93: {  	s3 =	sld [smem:$0x3FFC];
	_ =	sdelay $0x3  }
0x94: {  	_ =	strace s3  }
0x95: {  	s3 =	sld [smem:$0x3FFD];
	_ =	sdelay $0x3  }
0x96: {  	_ =	strace s3  }
0x97: {  	_ =	strace $0x8FFFFFFF  }
0x98: {  	s19 =	sld [smem:$0x3FDB];
	_ =	sdelay $0x1  }
0x99: {  	s4 =	simm.s32 $_scs_section_size  }
0x9a: {  	s5 =	simm.s32 $_size__tile_overlayer_lowered;
	s6 =	simm.s32 $_tile_overlayer_lowered  }
0x9b: {  	s22 =	simm.s32 $0x1BFF;
	s21 =	sshll.u32 s6, $0x1;
	s3 =	sadd.s32 s4, s19  }
0x9c: {  	s7 =	simm.s32 $0x0;
	s20 =	sshll.u32 s5, $0x1;
	s5 =	sadd.s32 s21, s3  }
0x9d: {  	[timem:s7], [sflag:s22] =	dma.local [hbm:s5], s20  }
0x9e: {  	_ =	swait.ge [sflag:s22], s20  }
0x9f: {  	s4 =	ssub.s32 $0x0, s20;
	[sflag:s22] =	ssyncset.done $0x0  }
0xa0: {  	[sflag:s22] =	ssyncadd.s32 s4;
	_ =	sdelay $0x1  }
0xa1: {  	s23 =	simm.s32 $0x1B8B  }
0xa2: {  	_ =	swait.ge [sflag:s23], $0x1  }
0xa3: {  	[sflag:s23] =	ssyncset.done $0x0  }
0xa4: {  	s25 =	simm.s32 $0x1B8E;
	s24 =	sld [smem:$0x3FFE];
	[sflag:s23] =	ssyncadd.s32 $0xFFFFFFFF  }
0xa5: {  	s26 =	simm.s32 $execute0_lowered;
	[smem:$0x3FD2] =	sst s25  }
0xa6: {  	s5 =	sshll.u32 s26, $0x1;
	_ =	strace $0x80000046;
	[dreg:$0x1] =	wrdreg $0xFFFFFFFF  }
0xa7: {  	s28 =	simm.s32 $_size_execute0_lowered;
	s3 =	sadd.s32 s3, s5;
	[dreg:$0x0] =	wrdreg $0x0  }
0xa8: {  	s5 =	sshll.u32 s28, $0x1;
	[dreg:$0x2] =	wrdreg s3  }
0xa9: {  	[dreg:$0x3] =	wrdreg s5  }
0xaa: {  	[dreg:$0x4] =	wrdreg $0xC0  }
0xab: {  	_ =	task [dreg:s7], $0x5FFFF  }
0xac: {  	[dreg:$0x1] =	wrdreg $0xFFFFFFFF  }
0xad: {  	[dreg:$0x0] =	wrdreg $0x60  }
0xae: {  	[dreg:$0x2] =	wrdreg s24  }
0xaf: {  	[dreg:$0x3] =	wrdreg s2  }
0xb0: {  	[dreg:$0x4] =	wrdreg $0x91000  }
0xb1: {  	[dreg:$0x5] =	wrdreg $0xA9700  }
0xb2: {  	[dreg:$0x6] =	wrdreg $0xC1E00  }
0xb3: {  	[dreg:$0x7] =	wrdreg $0xDA500  }
0xb4: {  	[dreg:$0x8] =	wrdreg $0xF2C00  }
0xb5: {  	[dreg:$0x9] =	wrdreg $0x10B300  }
0xb6: {  	[dreg:$0xa] =	wrdreg $0x123A00  }
0xb7: {  	[dreg:$0xb] =	wrdreg $0x13C100  }
0xb8: {  	[dreg:$0xc] =	wrdreg $0x154800  }
0xb9: {  	[dreg:$0xd] =	wrdreg $0x9  }
0xba: {  	_ =	task.clear_ibuf [dreg:s7], $0xEFFFF;
	_ =	strace $0x90000046  }
0xbb: {  	s29 =	simm.s32 $0x9;
	_ =	strace $0x80000048  }
0xbc: {  	_ =	swait.ge [sflag:s29], $0x1  }
0xbd: {  	[sflag:s29] =	ssyncadd.s32 $0xFFFFFFFF  }
0xbe: {  	_ =	strace $0x90000048  }
0xbf: {  	_ =	sfence  }
0xc0: {  	s30 =	sld [smem:$0x0];
	_ =	sdelay $0x2  }
0xc1: {  	s31 =	sshll.u32 s1, $0xD;
	s1 =	sshrl.u32 s1, $0x2  }
0xc2: {  	s3 =	sand.u32 $0x4000, s31;
	s1 =	sadd.s32 s1, s30  }
0xc3: {  	s0 =	sor.u32 s3, s0;
	s1 =	sshll.u32 s1, $0x11  }
0xc4: {  	s0 =	sor.u32 s1, s0  }
0xc5: {  	s0 =	sadd.s32 $0x8F2B, s0  }
0xc6: {  	[sflag:s0] =	ssyncadd.remote.s32 $0x1  }
0xc7: {  	_ =	sfence.sel $0xFFFF  }
0xc8: {  	[dreg:$0x0] =	wrdreg $0xFFFFFFFF;
	(pc) =	sbr.abs _section_cstart, $3  }
0xc9: {  	[dreg:$0x1] =	wrdreg $0xFFFFFFFF  }
0xca: {  	_ =	task.clear_ibuf [dreg:s7], $0x2FFFF;
	_ =	strace $0x9FFFFFFF  }
0xcb: {  	(tm) =	ssettm $0x7FFFFFFF  }
tec
execute0_lowered:
.L_overlay_start_1:
0x0: {  	(tag) =	ssettag $0x1  }
0x1: {  	s17 =	stileid.u32  }
0x2: {  	p0 =	sgt.s32 s17, $0x3  }
0x3: {  	p3 =	sgt.s32 @p0 s17, $0x5  }
0x4: {  	p1 =	por !p3, !p0  }
0x5: {  	p2 =	seq.s32 @!p1 s17, $0x6  }
0x6: {  	p1 =	por @p0 !p2, !p3  }
0x7: {  	s0 =	rddreg [dreg:$0x0];
	s1 =	simm.s32 @!p1 $0x0  }
0x8: {  	p4 =	por p3, !p0;
	s1 =	simm.s32 @p1 $0x1;
	p1 =	por @p0 p2, !p3  }
0x9: {  	p4 =	seq.s32 @!p4 s17, $0x4;
	[smem:$0x7E1] =	sst s1;
	s1 =	simm.s32 @!p1 $0x0  }
0xa: {  	p5 =	sgt.s32 @!p0 s17, $0x1;
	p6 =	por @p0 !p4, p3;
	s1 =	simm.s32 @p1 $0x1  }
0xb: {  	p1 =	por @p0 p4, p3;
	p4 =	por !p5, p0;
	s7 =	sld [smem:$0x7E1]  }
0xc: {  	[smem:$0x7E3] =	sst s1;
	s1 =	simm.s32 @!p1 $0x0;
	p4 =	seq.s32 @!p4 s17, $0x2  }
0xd: {  	s1 =	simm.s32 @p1 $0x1;
	p1 =	por p5, p0;
	p2 =	por @!p0 !p4, !p5  }
0xe: {  	p4 =	por @!p0 p4, !p5;
	s8 =	sld [smem:$0x7E3];
	p1 =	seq.s32 @!p1 s17, $0x0  }
0xf: {  	p3 =	por @!p0 !p1, p5;
	p1 =	por @!p0 p1, p5;
	p5 =	seq.s32 s7, $0x1  }
0x10: {  	s18 =	rddreg [dreg:$0x1];
	p5 =	por p5, !p0  }
0x11: {  	[smem:$0x7E5] =	sst s1;
	s1 =	simm.s32 @!p5 $0x0  }
0x12: {  	s2 =	rddreg [dreg:$0x2];
	s1 =	simm.s32 @p5 $0x1;
	p5 =	seq.s32 s8, $0x1  }
0x13: {  	s9 =	sld [smem:$0x7E5];
	p5 =	por p5, !p0  }
0x14: {  	[smem:$0x7E2] =	sst s1;
	s1 =	simm.s32 @!p5 $0x0  }
0x15: {  	s3 =	rddreg [dreg:$0x3];
	s1 =	simm.s32 @p5 $0x1;
	p5 =	por p6, !p0  }
0x16: {  	p6 =	seq.s32 s9, $0x1;
	[smem:$0x7EC] =	sst s1;
	s1 =	simm.s32 @!p5 $0x0  }
0x17: {  	s4 =	rddreg [dreg:$0x4];
	s1 =	simm.s32 @p5 $0x1;
	p5 =	por p6, !p0  }
0x18: {  	[smem:$0x7E4] =	sst s1;
	s1 =	simm.s32 @!p5 $0x0  }
0x19: {  	s5 =	rddreg [dreg:$0x5];
	p2 =	por p2, p0;
	s1 =	simm.s32 @p5 $0x1  }
0x1a: {  	[smem:$0x7ED] =	sst s1;
	s1 =	simm.s32 @!p2 $0x0  }
0x1b: {  	s6 =	rddreg [dreg:$0x6];
	p4 =	por p4, p0;
	s1 =	simm.s32 @p2 $0x1  }
0x1c: {  	[smem:$0x7E6] =	sst s1;
	s1 =	simm.s32 @!p4 $0x0  }
0x1d: {  	s11 =	rddreg [dreg:$0xa];
	p3 =	por p3, p0;
	s1 =	simm.s32 @p4 $0x1  }
0x1e: {  	[smem:$0x7EF] =	sst s1;
	s1 =	simm.s32 @!p3 $0x0  }
0x1f: {  	p0 =	por p1, p0;
	p2 =	sgt.s32 s17, $0xB;
	s1 =	simm.s32 @p3 $0x1  }
0x20: {  	p3 =	sgt.s32 @p2 s17, $0xD;
	[smem:$0x7E7] =	sst s1;
	s1 =	simm.s32 @!p0 $0x0  }
0x21: {  	s12 =	simm.s32 $0x0;
	s1 =	simm.s32 @p0 $0x1;
	p0 =	por !p3, !p2  }
0x22: {  	[smem:$0x7FF] =	sst s12;
	p1 =	seq.s32 @!p0 s17, $0xE;
	p0 =	por p3, !p2  }
0x23: {  	s7 =	rddreg [dreg:$0x7];
	p5 =	seq.s32 @!p0 s17, $0xC;
	p0 =	por @p2 !p1, !p3  }
0x24: {  	[smem:$0x7F1] =	sst s1;
	s1 =	simm.s32 @!p0 $0x0  }
0x25: {  	p6 =	sgt.s32 @!p2 s17, $0x9;
	s1 =	simm.s32 @p0 $0x1;
	p0 =	por @p2 !p5, p3  }
0x26: {  	p1 =	por @p2 p1, !p3;
	[smem:$0x7E8] =	sst s1;
	s1 =	simm.s32 @!p0 $0x0  }
0x27: {  	s1 =	simm.s32 @p0 $0x1;
	p0 =	por @p2 p5, p3;
	p3 =	por !p6, p2  }
0x28: {  	[smem:$0x7E9] =	sst s1;
	s1 =	simm.s32 @!p0 $0x0;
	p3 =	seq.s32 @!p3 s17, $0xA  }
0x29: {  	s1 =	simm.s32 @p0 $0x1;
	p5 =	por @!p2 !p3, !p6;
	p3 =	por @!p2 p3, !p6  }
0x2a: {  	p0 =	por p6, p2;
	[smem:$0x7EA] =	sst s1;
	s1 =	simm.s32 @!p3 $0x0  }
0x2b: {  	p0 =	seq.s32 @!p0 s17, $0x8;
	s1 =	simm.s32 @p3 $0x1;
	s14 =	sld [smem:$0x7EA]  }
0x2c: {  	p4 =	por @!p2 !p0, p6;
	p6 =	por @!p2 p0, p6;
	p0 =	por p1, !p2  }
0x2d: {  	[smem:$0x7EB] =	sst s1;
	s1 =	simm.s32 @!p0 $0x0  }
0x2e: {  	s1 =	simm.s32 @p0 $0x1;
	s15 =	sld [smem:$0x7EB];
	p0 =	seq.s32 s14, $0x1  }
0x2f: {  	s8 =	rddreg [dreg:$0x8];
	p0 =	por p0, !p2  }
0x30: {  	[smem:$0x7F4] =	sst s1;
	s1 =	simm.s32 @!p0 $0x0  }
0x31: {  	s9 =	rddreg [dreg:$0x9];
	s1 =	simm.s32 @p0 $0x1;
	p0 =	seq.s32 s15, $0x1  }
0x32: {  	s10 =	sld [smem:$0x7E8];
	p0 =	por p0, p2  }
0x33: {  	[smem:$0x7F6] =	sst s1;
	s1 =	simm.s32 @!p0 $0x0  }
0x34: {  	s13 =	sld [smem:$0x7E9];
	s1 =	simm.s32 @p0 $0x1  }
0x35: {  	p3 =	seq.s32 s10, $0x1;
	s10 =	sadd.s32 $0x7A00, s0;
	[smem:$0x7F8] =	sst s1  }
0x36: {  	s20 =	sadd.s32 $0x1E836, s0;
	_ =	strace $0x80000047;
	[dreg:$0xc] =	wrdreg s10  }
0x37: {  	s21 =	sadd.s32 $0x1CFCC, s0;
	[dreg:$0xd] =	wrdreg s20  }
0x38: {  	s22 =	sadd.s32 $0x1B762, s0;
	[dreg:$0xe] =	wrdreg s21  }
0x39: {  	s23 =	sadd.s32 $0x19EF8, s0;
	[dreg:$0xf] =	wrdreg s22  }
0x3a: {  	s24 =	sadd.s32 $0x1868E, s0;
	[dreg:$0x10] =	wrdreg s23  }
0x3b: {  	s16 =	srdreg.scid;
	s25 =	sadd.s32 $0x16E24, s0;
	[dreg:$0x11] =	wrdreg s24  }
0x3c: {  	s30 =	simm.s32 $0x80;
	s26 =	sadd.s32 $0x155BA, s0;
	[dreg:$0x12] =	wrdreg s25  }
0x3d: {  	s31 =	simm.s32 $0x6;
	s29 =	sadd.s32 $0x13D50, s0;
	[dreg:$0x13] =	wrdreg s26  }
0x3e: {  	s19 =	sshll.u32 s17, $0x8;
	[dreg:$0x14] =	wrdreg s29;
	s10 =	sadd.s32 $0x124E6, s0  }
0x3f: {  	s28 =	sadd.s32 $0x10000, s18;
	s20 =	sadd.s32 $0xF412, s0;
	[dreg:$0x15] =	wrdreg s10  }
0x40: {  	s18 =	simm.s32 $0x4;
	s21 =	sadd.s32 $0xDBA8, s0;
	[dreg:$0x17] =	wrdreg s20  }
0x41: {  	s1 =	sand.u32 $0x1, s16;
	s22 =	sadd.s32 $0xC33E, s0;
	[dreg:$0x18] =	wrdreg s21  }
0x42: {  	s16 =	sadd.s32 s19, s0;
	s23 =	sadd.s32 $0xAAD4, s0;
	[dreg:$0x19] =	wrdreg s22  }
0x43: {  	p5 =	por p5, p2;
	s25 =	sadd.s32 $0x6A00, s16;
	[dreg:$0x1a] =	wrdreg s23  }
0x44: {  	p3 =	por p3, !p2;
	p1 =	seq.s32 s13, $0x1;
	[dreg:$0x1c] =	wrdreg s25  }
0x45: {  	s13 =	sadd.s32 $0x600, s0;
	p1 =	por p1, !p2;
	s20 =	sld [smem:$0x7EC]  }
0x46: {  	p0 =	por p4, p2;
	p2 =	por p6, p2;
	s21 =	sld [smem:$0x7ED]  }
0x47: {  	s14 =	ssub.s32 $0x2, s1;
	s1 =	sshll.u32 s1, $0x7;
	s22 =	sld [smem:$0x7EF]  }
0x48: {  	s24 =	sshll.u32 s17, $0xB;
	s16 =	simm.s32 $0x0;
	s23 =	sld [smem:$0x7F1]  }
0x49: {  	s15 =	sshrl.u32 s14, $0x1;
	s10 =	sadd.s32 $0xC350, s3;
	s25 =	sld [smem:$0x7F6]  }
0x4a: {  	s14 =	ssub.s32 s14, s15;
	s15 =	sor.u32 s1, s19;
	s19 =	sadd.s32 $0x10C7C, s0  }
0x4b: {  	s0 =	sadd.s32 $0x926A, s0;
	s1 =	sadd.s32 $0xC350, s5;
	[dreg:$0x16] =	wrdreg s19  }
0x4c: {  	[dreg:$0x1b] =	wrdreg s0;
	s0 =	sadd.s32 s24, s11;
	s26 =	sshrl.u32 s15, $0x3  }
0x4d: {  	s19 =	smax.u32 s14, $0x1;
	s24 =	sld [smem:$0x7F4];
	s14 =	simm.s32 $0x8900  }
0x4e: {  	s29 =	sadd.s32 s13, s26;
	[dreg:$0x1e] =	wrdreg s19;
	p4 =	seq.s32 s20, $0x1  }
0x4f: {  	s0 =	sshrl.u32 s0, $0x3;
	s26 =	sld [smem:$0x7F8];
	s19 =	simm.s32 $0x3  }
0x50: {  	s1 =	sshrl.u32 @!p4 s1, $0x3;
	p4 =	seq.s32 s21, $0x1;
	[smem:$0x7F3] =	sst s0  }
0x51: {  	s0 =	sadd.s32 $0xC350, s9;
	[dreg:$0x1f] =	wrdreg s1;
	s1 =	sadd.s32 $0xC350, s4  }
0x52: {  	[dreg:$0x1d] =	wrdreg s29;
	s1 =	sshrl.u32 @!p4 s1, $0x3;
	p4 =	seq.s32 s22, $0x1  }
0x53: {  	s29 =	sadd.s32 $0x200, s29;
	[smem:$0x7EE] =	sst s1;
	s1 =	sshrl.u32 @!p4 s10, $0x3  }
0x54: {  	p4 =	seq.s32 s23, $0x1;
	[smem:$0x7F0] =	sst s1;
	s1 =	sadd.s32 $0xC350, s2  }
0x55: {  	[smem:$0x7FD] =	sst s29;
	s1 =	sshrl.u32 @!p4 s1, $0x3;
	p4 =	seq.s32 s24, $0x1  }
0x56: {  	s20 =	simm.s32 $0x1100;
	[smem:$0x7F2] =	sst s1;
	s0 =	sshrl.u32 @!p4 s0, $0x3  }
0x57: {  	p4 =	seq.s32 s25, $0x1;
	[smem:$0x7F5] =	sst s0;
	s0 =	sadd.s32 $0xC350, s8  }
0x58: {  	s1 =	sadd.s32 $0xC350, s7;
	s0 =	sshrl.u32 @!p4 s0, $0x3;
	p4 =	seq.s32 s26, $0x1  }
0x59: {  	s22 =	simm.s32 $0x500;
	[smem:$0x7F7] =	sst s0;
	s0 =	sshrl.u32 @!p4 s1, $0x3  }
0x5a: {  	s1 =	simm.s32 @!p2 $0x0;
	[smem:$0x7F9] =	sst s0;
	s0 =	sadd.s32 $0xC350, s6  }
0x5b: {  	s1 =	simm.s32 @p2 $0x1;
	s0 =	sshrl.u32 @!p2 s0, $0x3;
	p2 =	sgt.s32 s17, $0x7  }
0x5c: {  	v1 =	vlaneseq.u32;
	s10 =	simm.s32 $0x5100;
	[smem:$0x7FB] =	sst s0;
	s0 =	simm.s32 @!p2 $0x0  }
0x5d: {  	v0 =	vshrl.u32 v1, $0x3;
	v3 =	vand.u32 $0x7, v1;
	s23 =	simm.s32 $0x0;
	[smem:$0x7FA] =	sst s1;
	s0 =	simm.s32 @p2 $0x1  }
0x5e: {  	v1 =	vmul.u32 $0x80, v3;
	v2 =	vor.u32 $0x2, v0;
	v3 =	vmul.u32 $0x100, v3;
	s26 =	simm.s32 $0x5;
	s17 =	simm.s32 $0x100;
	[smem:$0x7FC] =	sst s0  }
.LBB2_1:
0x5f: {  	s0 =	sld [smem:$0x7FC];
	_ =	sdelay $0x2  }
0x60: {  	p2 =	seq.s32 s0, $0x1  }
.Ltmp0:
0x61: {  	_ = 	snop;
	(pc) =	sbr.rel @p2 .LBB2_3-.Ltmp0, $2  }
0x62: {  	_ =	sdelay $0x2  }
0x63: {  	[smem:$0x7E0] =	sst s16  }
0x64: {  	s0 =	sld [smem:$0x7E2];
	_ =	sdelay $0x2  }
0x65: {  	p2 =	seq.s32 s0, $0x1  }
0x66: {  	s16 =	rddreg [dreg:$0x16];
	s0 =	sshrl.u32 @!p2 s5, $0x3;
	s1 =	simm.s32 @!p2 $0x1D89  }
0x67: {  	[spmem:s0], [sflag:s1] =	dma.local @!p2 [hbm:s16], $0x186A  }
0x68: {  	s0 =	sld [smem:$0x7EC];
	_ =	sdelay $0x2  }
0x69: {  	s1 =	rddreg [dreg:$0x15];
	p2 =	seq.s32 s0, $0x1  }
0x6a: {  	s16 =	rddreg [dreg:$0x1f];
	s0 =	simm.s32 @!p2 $0x1DC9  }
0x6b: {  	[spmem:s16], [sflag:s0] =	dma.local @!p2 [hbm:s1], $0x186A  }
0x6c: {  	s0 =	sld [smem:$0x7E4];
	_ =	sdelay $0x2  }
0x6d: {  	p2 =	seq.s32 s0, $0x1  }
0x6e: {  	s16 =	rddreg [dreg:$0x18];
	s0 =	sshrl.u32 @!p2 s4, $0x3;
	s1 =	simm.s32 @!p2 $0x1D09  }
0x6f: {  	[spmem:s0], [sflag:s1] =	dma.local @!p2 [hbm:s16], $0x186A  }
0x70: {  	s0 =	sld [smem:$0x7ED];
	_ =	sdelay $0x1  }
0x71: {  	s16 =	sld [smem:$0x7EE]  }
0x72: {  	p2 =	seq.s32 s0, $0x1  }
0x73: {  	s1 =	rddreg [dreg:$0x17];
	s0 =	simm.s32 @!p2 $0x1D49  }
0x74: {  	[spmem:s16], [sflag:s0] =	dma.local @!p2 [hbm:s1], $0x186A  }
0x75: {  	s0 =	sld [smem:$0x7E6];
	_ =	sdelay $0x2  }
0x76: {  	p2 =	seq.s32 s0, $0x1  }
0x77: {  	s16 =	rddreg [dreg:$0x1a];
	s0 =	sshrl.u32 @!p2 s3, $0x3;
	s1 =	simm.s32 @!p2 $0x1C89  }
0x78: {  	[spmem:s0], [sflag:s1] =	dma.local @!p2 [hbm:s16], $0x186A  }
0x79: {  	s0 =	sld [smem:$0x7EF];
	_ =	sdelay $0x1  }
0x7a: {  	s16 =	sld [smem:$0x7F0]  }
0x7b: {  	p2 =	seq.s32 s0, $0x1  }
0x7c: {  	s1 =	rddreg [dreg:$0x19];
	s0 =	simm.s32 @!p2 $0x1CC9  }
0x7d: {  	[spmem:s16], [sflag:s0] =	dma.local @!p2 [hbm:s1], $0x186A  }
0x7e: {  	s0 =	sld [smem:$0x7E7];
	_ =	sdelay $0x2  }
0x7f: {  	p2 =	seq.s32 s0, $0x1  }
0x80: {  	s16 =	rddreg [dreg:$0xc];
	s0 =	sshrl.u32 @!p2 s2, $0x3;
	s1 =	simm.s32 @!p2 $0x1C09  }
0x81: {  	[spmem:s0], [sflag:s1] =	dma.local @!p2 [hbm:s16], $0x186A  }
0x82: {  	s0 =	sld [smem:$0x7F1]  }
.Ltmp1:
0x83: {  	_ = 	snop;
	(pc) =	sbr.rel .LBB2_4-.Ltmp1, $4  }
0x84: {  	s16 =	sld [smem:$0x7F2]  }
0x85: {  	p2 =	seq.s32 s0, $0x1  }
0x86: {  	s1 =	rddreg [dreg:$0x1b];
	s0 =	simm.s32 @!p2 $0x1C49  }
0x87: {  	[spmem:s16], [sflag:s0] =	dma.local @!p2 [hbm:s1], $0x186A  }
.LBB2_3:
0x88: {  	s0 =	sshrl.u32 @!p3 s9, $0x3;
	s1 =	simm.s32 @!p3 $0x1F89;
	s16 =	rddreg [dreg:$0xe]  }
0x89: {  	[spmem:s0], [sflag:s1] =	dma.local @!p3 [hbm:s16], $0x186A  }
0x8a: {  	s0 =	sld [smem:$0x7F4];
	_ =	sdelay $0x1  }
0x8b: {  	s16 =	sld [smem:$0x7F5]  }
0x8c: {  	p2 =	seq.s32 s0, $0x1  }
0x8d: {  	s1 =	rddreg [dreg:$0xd];
	s0 =	simm.s32 @!p2 $0x1FC9  }
0x8e: {  	[spmem:s16], [sflag:s0] =	dma.local @!p2 [hbm:s1], $0x186A  }
0x8f: {  	s0 =	sshrl.u32 @!p1 s8, $0x3;
	s1 =	simm.s32 @!p1 $0x1F09;
	s16 =	rddreg [dreg:$0x10]  }
0x90: {  	[spmem:s0], [sflag:s1] =	dma.local @!p1 [hbm:s16], $0x186A  }
0x91: {  	s0 =	sld [smem:$0x7F6];
	_ =	sdelay $0x1  }
0x92: {  	s16 =	sld [smem:$0x7F7]  }
0x93: {  	p2 =	seq.s32 s0, $0x1  }
0x94: {  	s1 =	rddreg [dreg:$0xf];
	s0 =	simm.s32 @!p2 $0x1F49  }
0x95: {  	[spmem:s16], [sflag:s0] =	dma.local @!p2 [hbm:s1], $0x186A  }
0x96: {  	s0 =	sshrl.u32 @!p5 s7, $0x3;
	s1 =	simm.s32 @!p5 $0x1E89;
	s16 =	rddreg [dreg:$0x12]  }
0x97: {  	[spmem:s0], [sflag:s1] =	dma.local @!p5 [hbm:s16], $0x186A  }
0x98: {  	s0 =	sld [smem:$0x7F8];
	_ =	sdelay $0x1  }
0x99: {  	s16 =	sld [smem:$0x7F9]  }
0x9a: {  	p2 =	seq.s32 s0, $0x1  }
0x9b: {  	s1 =	rddreg [dreg:$0x11];
	s0 =	simm.s32 @!p2 $0x1EC9  }
0x9c: {  	[spmem:s16], [sflag:s0] =	dma.local @!p2 [hbm:s1], $0x186A  }
0x9d: {  	s0 =	sshrl.u32 @!p0 s6, $0x3;
	s1 =	simm.s32 @!p0 $0x1E09;
	s16 =	rddreg [dreg:$0x14]  }
0x9e: {  	[spmem:s0], [sflag:s1] =	dma.local @!p0 [hbm:s16], $0x186A  }
0x9f: {  	s0 =	sld [smem:$0x7FA];
	_ =	sdelay $0x1  }
0xa0: {  	s16 =	sld [smem:$0x7FB]  }
0xa1: {  	p2 =	seq.s32 s0, $0x1  }
0xa2: {  	s1 =	rddreg [dreg:$0x13];
	s0 =	simm.s32 @!p2 $0x1E49  }
0xa3: {  	[spmem:s16], [sflag:s0] =	dma.local @!p2 [hbm:s1], $0x186A  }
.LBB2_4:
0xa4: {  	s21 =	simm.s32 $0x9  }
0xa5: {  	_ =	swait.ge [sflag:s21], $0x186A  }
0xa6: {  	s0 =	stileid.u32;
	s16 =	sld [smem:$0x7F3]  }
0xa7: {  	s0 =	sshll.u32 s0, $0x6;
	[sflag:s21] =	ssyncset.done $0x0  }
0xa8: {  	s0 =	sor.u32 $0x1C09, s0;
	s1 =	rddreg [dreg:$0x1c];
	[sflag:s21] =	ssyncadd.s32 $0xFFFFE796  }
0xa9: {  	[spmem:s16], [sflag:s0] =	dma.local [hbm:s1], $0x100  }
0xaa: {  	_ =	swait.ge [sflag:s21], $0x100  }
0xab: {  	[sflag:s21] =	ssyncset.done $0x0  }
0xac: {  	[sflag:s21] =	ssyncadd.s32 $0xFFFFFF00  }
0xad: {  	[bflag:$0x0] =	sbarrier.arrive $0xFFFF  }
0xae: {  	s21 =	rddreg [dreg:$0x1d]  }
0xaf: {  	s24 =	sld [smem:$0x7FD]  }
0xb0: {  	[tilespmem:s23], [sflag:$0x1] =	stream.linear.gather [hbm4b:s21+s23], $0x80, $0x38;
	[tilespmem:$0x15C80] =	vst v63  }
0xb1: {  	s25 =	simm.s32 $0x1  }
0xb2: {  	[tilespmem:s30], [sflag:$0x2] =	stream.linear.gather [hbm4b:s24+s23], $0x80, $0x38;
	[tilespmem:$0x15C80] =	vst v63  }
0xb3: {  	_ =	swait.ge [sflag:s25], $0x80  }
0xb4: {  	[sflag:s25] =	ssyncset.done $0x0  }
0xb5: {  	[sflag:s25] =	ssyncadd.s32 $0xFFFFFF80  }
0xb6: {  	[tilespmem:s17], [sflag:$0x3] =	stream.indirect.gather [spmem:s2], $0x1, s23, s30, $0xb8;
	[tilespmem:$0x15C80] =	vst v63  }
0xb7: {  	s1 =	simm.s32 $0x180  }
0xb8: {  	[tilespmem:s1], [sflag:$0x3] =	stream.indirect.gather [spmem:s3], $0x1, s23, s30, $0xb8;
	[tilespmem:$0x15C80] =	vst v63  }
0xb9: {  	s16 =	simm.s32 $0x200  }
0xba: {  	[tilespmem:s16], [sflag:$0x3] =	stream.indirect.gather [spmem:s4], $0x1, s23, s30, $0xb8;
	[tilespmem:$0x15C80] =	vst v63  }
0xbb: {  	s21 =	simm.s32 $0x280  }
0xbc: {  	[tilespmem:s21], [sflag:$0x3] =	stream.indirect.gather [spmem:s5], $0x1, s23, s30, $0xb8;
	[tilespmem:$0x15C80] =	vst v63  }
0xbd: {  	s24 =	simm.s32 $0x300  }
0xbe: {  	[tilespmem:s24], [sflag:$0x3] =	stream.indirect.gather [spmem:s6], $0x1, s23, s30, $0xb8;
	[tilespmem:$0x15C80] =	vst v63  }
0xbf: {  	s25 =	simm.s32 $0x380  }
0xc0: {  	[tilespmem:s25], [sflag:$0x3] =	stream.indirect.gather [spmem:s7], $0x1, s23, s30, $0xb8;
	[tilespmem:$0x15C80] =	vst v63  }
0xc1: {  	s1 =	simm.s32 $0x400  }
0xc2: {  	[tilespmem:s1], [sflag:$0x3] =	stream.indirect.gather [spmem:s8], $0x1, s23, s30, $0xb8;
	[tilespmem:$0x15C80] =	vst v63  }
0xc3: {  	s16 =	simm.s32 $0x480;
	s21 =	simm.s32 $0x2  }
0xc4: {  	[tilespmem:s16], [sflag:$0x3] =	stream.indirect.gather [spmem:s9], $0x1, s23, s30, $0xb8;
	[tilespmem:$0x15C80] =	vst v63  }
0xc5: {  	_ =	swait.ge [sflag:s21], $0x80  }
0xc6: {  	[sflag:s21] =	ssyncset.done $0x0  }
0xc7: {  	[sflag:s21] =	ssyncadd.s32 $0xFFFFFF80  }
0xc8: {  	[tilespmem:s22], [sflag:$0x4] =	stream.indirect.gather [spmem:s2], $0x1, s30, s30, $0xb8;
	[tilespmem:$0x15C80] =	vst v63  }
0xc9: {  	s24 =	simm.s32 $0x580  }
0xca: {  	[tilespmem:s24], [sflag:$0x4] =	stream.indirect.gather [spmem:s3], $0x1, s30, s30, $0xb8;
	[tilespmem:$0x15C80] =	vst v63  }
0xcb: {  	s25 =	simm.s32 $0x600  }
0xcc: {  	[tilespmem:s25], [sflag:$0x4] =	stream.indirect.gather [spmem:s4], $0x1, s30, s30, $0xb8;
	[tilespmem:$0x15C80] =	vst v63  }
0xcd: {  	s1 =	simm.s32 $0x680  }
0xce: {  	[tilespmem:s1], [sflag:$0x4] =	stream.indirect.gather [spmem:s5], $0x1, s30, s30, $0xb8;
	[tilespmem:$0x15C80] =	vst v63  }
0xcf: {  	s16 =	simm.s32 $0x700  }
0xd0: {  	[tilespmem:s16], [sflag:$0x4] =	stream.indirect.gather [spmem:s6], $0x1, s30, s30, $0xb8;
	[tilespmem:$0x15C80] =	vst v63  }
0xd1: {  	s21 =	simm.s32 $0x780  }
0xd2: {  	[tilespmem:s21], [sflag:$0x4] =	stream.indirect.gather [spmem:s7], $0x1, s30, s30, $0xb8;
	[tilespmem:$0x15C80] =	vst v63  }
0xd3: {  	s24 =	simm.s32 $0x800  }
0xd4: {  	[tilespmem:s24], [sflag:$0x4] =	stream.indirect.gather [spmem:s8], $0x1, s30, s30, $0xb8;
	[tilespmem:$0x15C80] =	vst v63  }
0xd5: {  	s29 =	simm.s32 $0x0;
	s25 =	simm.s32 $0x880  }
0xd6: {  	[tilespmem:s25], [sflag:$0x4] =	stream.indirect.gather [spmem:s9], $0x1, s30, s30, $0xb8;
	[tilespmem:$0x15C80] =	vst v63  }
.LBB2_5:
0xd7: {  	_ =	swait.ge [sflag:s19], $0x80  }
0xd8: {  	[sflag:s19] =	ssyncset.done $0x0  }
0xd9: {  	[sflag:s19] =	ssyncadd.s32 $0xFFFFFF80  }
0xda: {  	_ =	swait.ge [sflag:s19], $0x80  }
0xdb: {  	[sflag:s19] =	ssyncset.done $0x0  }
0xdc: {  	[sflag:s19] =	ssyncadd.s32 $0xFFFFFF80  }
0xdd: {  	_ =	swait.ge [sflag:s19], $0x80  }
0xde: {  	[sflag:s19] =	ssyncset.done $0x0  }
0xdf: {  	[sflag:s19] =	ssyncadd.s32 $0xFFFFFF80  }
0xe0: {  	_ =	swait.ge [sflag:s19], $0x80  }
0xe1: {  	[sflag:s19] =	ssyncset.done $0x0  }
0xe2: {  	[sflag:s19] =	ssyncadd.s32 $0xFFFFFF80  }
0xe3: {  	_ =	swait.ge [sflag:s19], $0x80  }
0xe4: {  	[sflag:s19] =	ssyncset.done $0x0  }
0xe5: {  	[sflag:s19] =	ssyncadd.s32 $0xFFFFFF80  }
0xe6: {  	_ =	swait.ge [sflag:s19], $0x80  }
0xe7: {  	[sflag:s19] =	ssyncset.done $0x0  }
0xe8: {  	v4 =	vmov s23;
	[sflag:s19] =	ssyncadd.s32 $0xFFFFFF80  }
0xe9: {  	v5 =	vor.u32 s23, v0;
	v4 =	vand.u32 $0x78, v4;
	_ =	swait.ge [sflag:s19], $0x80  }
0xea: {  	s0 =	sshll.u32 s29, $0xD;
	v5 =	vand.u32 $0x5, v5;
	v4 =	vor.u32 v1, v4;
	[sflag:s19] =	ssyncset.done $0x0  }
0xeb: {  	p2 =	seq.s32 s29, $0x18;
	v6 =	vor.u32 s23, v2;
	s1 =	sor.u32 s15, s0;
	v5 =	vor.u32 v5, v4;
	[sflag:s19] =	ssyncadd.s32 $0xFFFFFF80  }
0xec: {  	v6 =	vand.u32 $0x7, v6;
	s0 =	sshrl.u32 @!p2 s1, $0x3;
	_ =	swait.ge [sflag:s19], $0x80  }
0xed: {  	s24 =	simm.s32 $0x4;
	s25 =	sadd.s32 @!p2 s13, s0;
	v4 =	vor.u32 v6, v4;
	[sflag:s19] =	ssyncset.done $0x0  }
0xee: {  	s16 =	simm.s32 @!p2 $0x0;
	s0 =	sadd.s32 @!p2 $0x400, s25;
	[sflag:s19] =	ssyncadd.s32 $0xFFFFFF80  }
0xef: {  	[tilespmem:s16], [sflag:$0x1] =	stream.linear.gather @!p2 [hbm4b:s0+s16], $0x80, $0x38;
	[tilespmem:$0x15C80] =	vst v63  }
0xf0: {  	v7 =	vld.idx.msk [tilespmem:v5+s17+$0x0], $0xffff;
	v5 =	vmov s24  }
0xf1: {  	v5 =	vand.u32 $0x78, v5  }
0xf2: {  	v6 =	vor.u32 s24, v0;
	v9 =	vor.u32 v1, v5;
	v5 =	vld.idx.msk [tilespmem:v4+s17+$0x0], $0xffff  }
0xf3: {  	v8 =	vor.u32 s24, v2;
	v6 =	vand.u32 $0x5, v6  }
0xf4: {  	v8 =	vand.u32 $0x7, v8;
	v6 =	vor.u32 v6, v9  }
0xf5: {  	s16 =	simm.s32 $0x8;
	s0 =	simm.s32 $0x910;
	s24 =	simm.s32 $0x910;
	v4 =	vor.u32 v8, v9;
	v7 =	vadd.s32 v3, v7  }
.LBB2_6:
0xf6: {  	p4 =	sne.s32 s16, $0x7C  }
0xf7: {  	[tilespmem:s24+$0xFFFFFFF0] =	vst v7;
	v5 =	vadd.s32 v3, v5;
	s0 =	sadd.s32 $0x20, s0;
	s21 =	smov.u32 s16;
	s16 =	sadd.s32 $0x4, s16  }
0xf8: {  	[tilespmem:s24+$0x0] =	vst v5;
	s24 =	smov.u32 s0  }
0xf9: {  	v7 =	vld.idx.msk [tilespmem:v6+s17+$0x0], $0xffff  }
0xfa: {  	v6 =	vmov s21;
	v5 =	vld.idx.msk [tilespmem:v4+s17+$0x0], $0xffff  }
.Ltmp2:
0xfb: {  	v8 =	vor.u32 s21, v2;
	v4 =	vor.u32 s21, v0;
	v6 =	vand.u32 $0x78, v6;
	(pc) =	sbr.rel @p4 .LBB2_6-.Ltmp2, $3  }
0xfc: {  	v8 =	vand.u32 $0x7, v8;
	v4 =	vand.u32 $0x5, v4;
	v9 =	vor.u32 v1, v6  }
0xfd: {  	v6 =	vor.u32 v4, v9;
	v4 =	vor.u32 v8, v9;
	_ =	sdelay $0x1  }
0xfe: {  	v7 =	vadd.s32 v3, v7  }
0xff: {  	_ =	sdelay $0x1  }
0x100: {  	[tilespmem:s24+$0xFFFFFFF0] =	vst v7;
	v5 =	vadd.s32 v3, v5  }
0x101: {  	[tilespmem:s24+$0x0] =	vst v5  }
0x102: {  	v5 =	vld.idx.msk [tilespmem:v6+s17+$0x0], $0xffff  }
0x103: {  	v4 =	vld.idx.msk [tilespmem:v4+s17+$0x0], $0xffff;
	_ =	sdelay $0x3  }
0x104: {  	s0 =	sadd.s32 $0x20, s0;
	v5 =	vadd.s32 v3, v5  }
0x105: {  	p4 =	seq.s32 s29, $0x0;
	v4 =	vadd.s32 v3, v4;
	[tilespmem:s0+$0xFFFFFFF0] =	vst v5  }
0x106: {  	[tilespmem:s0+$0x0] =	vst v4;
	s0 =	simm.s32 @!p4 $0x7  }
0x107: {  	_ =	swait.ge @!p4 [sflag:s0], $0x4000  }
0x108: {  	[sflag:s0] =	ssyncset.done @!p4 $0x0  }
0x109: {  	s21 =	simm.s32 $0x900;
	[sflag:s0] =	ssyncadd.s32 @!p4 $0xFFFFC000  }
0x10a: {  	[tilespmem:s20], [sflag:$0x5] =	stream.indirect.gather [spmem:s11], $0x10, s21, s30, $0xb8;
	[tilespmem:$0x15C80] =	vst v63  }
0x10b: {  	s16 =	simm.s32 $0x1900;
	s24 =	simm.s32 $0x980  }
0x10c: {  	[tilespmem:s16], [sflag:$0x5] =	stream.indirect.gather [spmem:s11], $0x10, s24, s30, $0xb8;
	[tilespmem:$0x15C80] =	vst v63  }
0x10d: {  	s21 =	simm.s32 $0xA00;
	s24 =	simm.s32 $0x2100  }
0x10e: {  	[tilespmem:s24], [sflag:$0x5] =	stream.indirect.gather [spmem:s11], $0x10, s21, s30, $0xb8;
	[tilespmem:$0x15C80] =	vst v63  }
0x10f: {  	s21 =	simm.s32 $0xA80;
	s24 =	simm.s32 $0x2900  }
0x110: {  	[tilespmem:s24], [sflag:$0x5] =	stream.indirect.gather [spmem:s11], $0x10, s21, s30, $0xb8;
	[tilespmem:$0x15C80] =	vst v63  }
0x111: {  	s21 =	simm.s32 $0xB00;
	s24 =	simm.s32 $0x3100  }
0x112: {  	[tilespmem:s24], [sflag:$0x5] =	stream.indirect.gather [spmem:s11], $0x10, s21, s30, $0xb8;
	[tilespmem:$0x15C80] =	vst v63  }
0x113: {  	s21 =	simm.s32 $0xB80;
	s24 =	simm.s32 $0x3900  }
0x114: {  	[tilespmem:s24], [sflag:$0x5] =	stream.indirect.gather [spmem:s11], $0x10, s21, s30, $0xb8;
	[tilespmem:$0x15C80] =	vst v63  }
0x115: {  	s21 =	simm.s32 $0xC00;
	s24 =	simm.s32 $0x4100  }
0x116: {  	[tilespmem:s24], [sflag:$0x5] =	stream.indirect.gather [spmem:s11], $0x10, s21, s30, $0xb8;
	[tilespmem:$0x15C80] =	vst v63  }
0x117: {  	s16 =	simm.s32 $0xC80;
	s21 =	simm.s32 $0x4900  }
0x118: {  	[tilespmem:s21], [sflag:$0x5] =	stream.indirect.gather [spmem:s11], $0x10, s16, s30, $0xb8;
	[tilespmem:$0x15C80] =	vst v63  }
0x119: {  	_ =	swait.ge [sflag:s18], $0x80  }
0x11a: {  	[sflag:s18] =	ssyncset.done $0x0  }
0x11b: {  	[sflag:s18] =	ssyncadd.s32 $0xFFFFFF80  }
0x11c: {  	_ =	swait.ge [sflag:s18], $0x80  }
0x11d: {  	[sflag:s18] =	ssyncset.done $0x0  }
0x11e: {  	[sflag:s18] =	ssyncadd.s32 $0xFFFFFF80  }
0x11f: {  	_ =	swait.ge [sflag:s18], $0x80  }
0x120: {  	[sflag:s18] =	ssyncset.done $0x0  }
0x121: {  	[sflag:s18] =	ssyncadd.s32 $0xFFFFFF80  }
0x122: {  	_ =	swait.ge [sflag:s18], $0x80  }
0x123: {  	[sflag:s18] =	ssyncset.done $0x0  }
0x124: {  	[sflag:s18] =	ssyncadd.s32 $0xFFFFFF80  }
0x125: {  	_ =	swait.ge [sflag:s18], $0x80  }
0x126: {  	[sflag:s18] =	ssyncset.done $0x0  }
0x127: {  	[sflag:s18] =	ssyncadd.s32 $0xFFFFFF80  }
0x128: {  	_ =	swait.ge [sflag:s18], $0x80  }
0x129: {  	s24 =	simm.s32 $0x0;
	[sflag:s18] =	ssyncset.done $0x0  }
0x12a: {  	v4 =	vmov s24;
	[sflag:s18] =	ssyncadd.s32 $0xFFFFFF80  }
0x12b: {  	v5 =	vor.u32 s24, v0;
	v4 =	vand.u32 $0x78, v4;
	_ =	swait.ge [sflag:s18], $0x80  }
0x12c: {  	v5 =	vand.u32 $0x5, v5;
	v4 =	vor.u32 v1, v4;
	[sflag:s18] =	ssyncset.done $0x0  }
0x12d: {  	v6 =	vor.u32 s24, v2;
	v5 =	vor.u32 v5, v4;
	[sflag:s18] =	ssyncadd.s32 $0xFFFFFF80  }
0x12e: {  	v6 =	vand.u32 $0x7, v6;
	_ =	swait.ge [sflag:s18], $0x80  }
0x12f: {  	s0 =	simm.s32 @!p2 $0x80;
	s16 =	sadd.s32 @!p2 $0x600, s25;
	v4 =	vor.u32 v6, v4;
	[sflag:s18] =	ssyncset.done $0x0  }
0x130: {  	s21 =	simm.s32 @!p2 $0x0;
	s25 =	simm.s32 $0x4;
	[sflag:s18] =	ssyncadd.s32 $0xFFFFFF80  }
0x131: {  	[tilespmem:s0], [sflag:$0x2] =	stream.linear.gather @!p2 [hbm4b:s16+s21], $0x80, $0x38;
	[tilespmem:$0x15C80] =	vst v63  }
0x132: {  	v7 =	vld.idx.msk [tilespmem:v5+s22+$0x0], $0xffff;
	v5 =	vmov s25  }
0x133: {  	v5 =	vand.u32 $0x78, v5  }
0x134: {  	v6 =	vor.u32 s25, v0;
	v9 =	vor.u32 v1, v5;
	v5 =	vld.idx.msk [tilespmem:v4+s22+$0x0], $0xffff  }
0x135: {  	v8 =	vor.u32 s25, v2;
	v6 =	vand.u32 $0x5, v6  }
0x136: {  	v8 =	vand.u32 $0x7, v8;
	v6 =	vor.u32 v6, v9  }
0x137: {  	s24 =	simm.s32 $0xD10;
	s16 =	simm.s32 $0x8;
	s0 =	simm.s32 $0xD10;
	v4 =	vor.u32 v8, v9;
	v7 =	vadd.s32 v3, v7  }
.LBB2_8:
0x138: {  	p6 =	sne.s32 s16, $0x7C  }
0x139: {  	[tilespmem:s24+$0xFFFFFFF0] =	vst v7;
	v5 =	vadd.s32 v3, v5;
	s0 =	sadd.s32 $0x20, s0;
	s21 =	smov.u32 s16;
	s16 =	sadd.s32 $0x4, s16  }
0x13a: {  	[tilespmem:s24+$0x0] =	vst v5;
	s24 =	smov.u32 s0  }
0x13b: {  	v7 =	vld.idx.msk [tilespmem:v6+s22+$0x0], $0xffff  }
0x13c: {  	v6 =	vmov s21;
	v5 =	vld.idx.msk [tilespmem:v4+s22+$0x0], $0xffff  }
.Ltmp3:
0x13d: {  	v8 =	vor.u32 s21, v2;
	v4 =	vor.u32 s21, v0;
	v6 =	vand.u32 $0x78, v6;
	(pc) =	sbr.rel @p6 .LBB2_8-.Ltmp3, $3  }
0x13e: {  	v8 =	vand.u32 $0x7, v8;
	v4 =	vand.u32 $0x5, v4;
	v9 =	vor.u32 v1, v6  }
0x13f: {  	v6 =	vor.u32 v4, v9;
	v4 =	vor.u32 v8, v9;
	_ =	sdelay $0x1  }
0x140: {  	v7 =	vadd.s32 v3, v7  }
0x141: {  	_ =	sdelay $0x1  }
0x142: {  	[tilespmem:s24+$0xFFFFFFF0] =	vst v7;
	v5 =	vadd.s32 v3, v5  }
0x143: {  	[tilespmem:s24+$0x0] =	vst v5  }
0x144: {  	v5 =	vld.idx.msk [tilespmem:v6+s22+$0x0], $0xffff  }
0x145: {  	v4 =	vld.idx.msk [tilespmem:v4+s22+$0x0], $0xffff;
	_ =	sdelay $0x3  }
0x146: {  	s0 =	sadd.s32 $0x20, s0;
	v5 =	vadd.s32 v3, v5  }
0x147: {  	v4 =	vadd.s32 v3, v4;
	[tilespmem:s0+$0xFFFFFFF0] =	vst v5  }
0x148: {  	[tilespmem:s0+$0x0] =	vst v4;
	s0 =	simm.s32 @!p4 $0x8  }
0x149: {  	_ =	swait.ge @!p4 [sflag:s0], $0x4000  }
0x14a: {  	[sflag:s0] =	ssyncset.done @!p4 $0x0  }
0x14b: {  	s16 =	simm.s32 $0xD00;
	[sflag:s0] =	ssyncadd.s32 @!p4 $0xFFFFC000  }
0x14c: {  	[tilespmem:s10], [sflag:$0x6] =	stream.indirect.gather [spmem:s11], $0x10, s16, s30, $0xb8;
	[tilespmem:$0x15C80] =	vst v63  }
0x14d: {  	s21 =	simm.s32 $0xD80;
	s16 =	simm.s32 $0x5900  }
0x14e: {  	[tilespmem:s16], [sflag:$0x6] =	stream.indirect.gather [spmem:s11], $0x10, s21, s30, $0xb8;
	[tilespmem:$0x15C80] =	vst v63  }
0x14f: {  	s25 =	simm.s32 $0x6100;
	s24 =	simm.s32 $0xE00  }
0x150: {  	[tilespmem:s25], [sflag:$0x6] =	stream.indirect.gather [spmem:s11], $0x10, s24, s30, $0xb8;
	[tilespmem:$0x15C80] =	vst v63  }
0x151: {  	s16 =	simm.s32 $0xE80;
	s21 =	simm.s32 $0x6900  }
0x152: {  	[tilespmem:s21], [sflag:$0x6] =	stream.indirect.gather [spmem:s11], $0x10, s16, s30, $0xb8;
	[tilespmem:$0x15C80] =	vst v63  }
0x153: {  	s24 =	simm.s32 $0xF00;
	s25 =	simm.s32 $0x7100  }
0x154: {  	[tilespmem:s25], [sflag:$0x6] =	stream.indirect.gather [spmem:s11], $0x10, s24, s30, $0xb8;
	[tilespmem:$0x15C80] =	vst v63  }
0x155: {  	s16 =	simm.s32 $0xF80;
	s21 =	simm.s32 $0x7900  }
0x156: {  	[tilespmem:s21], [sflag:$0x6] =	stream.indirect.gather [spmem:s11], $0x10, s16, s30, $0xb8;
	[tilespmem:$0x15C80] =	vst v63  }
0x157: {  	s24 =	simm.s32 $0x1000;
	s25 =	simm.s32 $0x8100  }
0x158: {  	[tilespmem:s25], [sflag:$0x6] =	stream.indirect.gather [spmem:s11], $0x10, s24, s30, $0xb8;
	[tilespmem:$0x15C80] =	vst v63  }
0x159: {  	s0 =	simm.s32 @!p2 $0x1;
	s21 =	simm.s32 $0x1080  }
0x15a: {  	[tilespmem:s14], [sflag:$0x6] =	stream.indirect.gather [spmem:s11], $0x10, s21, s30, $0xb8;
	[tilespmem:$0x15C80] =	vst v63  }
0x15b: {  	_ =	swait.ge @!p2 [sflag:s0], $0x80  }
0x15c: {  	s16 =	simm.s32 @!p2 $0x0;
	[sflag:s0] =	ssyncset.done @!p2 $0x0  }
0x15d: {  	s21 =	simm.s32 @!p2 $0x100;
	[sflag:s0] =	ssyncadd.s32 @!p2 $0xFFFFFF80;
	s0 =	simm.s32 @!p2 $0x80  }
0x15e: {  	[tilespmem:s21], [sflag:$0x3] =	stream.indirect.gather @!p2 [spmem:s2], $0x1, s16, s0, $0xb8;
	[tilespmem:$0x15C80] =	vst v63  }
0x15f: {  	s21 =	simm.s32 @!p2 $0x180  }
0x160: {  	[tilespmem:s21], [sflag:$0x3] =	stream.indirect.gather @!p2 [spmem:s3], $0x1, s16, s0, $0xb8;
	[tilespmem:$0x15C80] =	vst v63  }
0x161: {  	s21 =	simm.s32 @!p2 $0x200  }
0x162: {  	[tilespmem:s21], [sflag:$0x3] =	stream.indirect.gather @!p2 [spmem:s4], $0x1, s16, s0, $0xb8;
	[tilespmem:$0x15C80] =	vst v63  }
0x163: {  	s21 =	simm.s32 @!p2 $0x280  }
0x164: {  	[tilespmem:s21], [sflag:$0x3] =	stream.indirect.gather @!p2 [spmem:s5], $0x1, s16, s0, $0xb8;
	[tilespmem:$0x15C80] =	vst v63  }
0x165: {  	s21 =	simm.s32 @!p2 $0x300  }
0x166: {  	[tilespmem:s21], [sflag:$0x3] =	stream.indirect.gather @!p2 [spmem:s6], $0x1, s16, s0, $0xb8;
	[tilespmem:$0x15C80] =	vst v63  }
0x167: {  	s21 =	simm.s32 @!p2 $0x380  }
0x168: {  	[tilespmem:s21], [sflag:$0x3] =	stream.indirect.gather @!p2 [spmem:s7], $0x1, s16, s0, $0xb8;
	[tilespmem:$0x15C80] =	vst v63  }
0x169: {  	s21 =	simm.s32 @!p2 $0x400  }
0x16a: {  	[tilespmem:s21], [sflag:$0x3] =	stream.indirect.gather @!p2 [spmem:s8], $0x1, s16, s0, $0xb8;
	[tilespmem:$0x15C80] =	vst v63  }
0x16b: {  	s21 =	simm.s32 @!p2 $0x480  }
0x16c: {  	[tilespmem:s21], [sflag:$0x3] =	stream.indirect.gather @!p2 [spmem:s9], $0x1, s16, s0, $0xb8;
	[tilespmem:$0x15C80] =	vst v63  }
0x16d: {  	s16 =	simm.s32 @!p2 $0x2  }
0x16e: {  	_ =	swait.ge @!p2 [sflag:s16], $0x80  }
0x16f: {  	[sflag:s16] =	ssyncset.done @!p2 $0x0  }
0x170: {  	[sflag:s16] =	ssyncadd.s32 @!p2 $0xFFFFFF80;
	s16 =	simm.s32 @!p2 $0x500  }
0x171: {  	[tilespmem:s16], [sflag:$0x4] =	stream.indirect.gather @!p2 [spmem:s2], $0x1, s0, s0, $0xb8;
	[tilespmem:$0x15C80] =	vst v63  }
0x172: {  	s16 =	simm.s32 @!p2 $0x580  }
0x173: {  	[tilespmem:s16], [sflag:$0x4] =	stream.indirect.gather @!p2 [spmem:s3], $0x1, s0, s0, $0xb8;
	[tilespmem:$0x15C80] =	vst v63  }
0x174: {  	s16 =	simm.s32 @!p2 $0x600  }
0x175: {  	[tilespmem:s16], [sflag:$0x4] =	stream.indirect.gather @!p2 [spmem:s4], $0x1, s0, s0, $0xb8;
	[tilespmem:$0x15C80] =	vst v63  }
0x176: {  	s16 =	simm.s32 @!p2 $0x680  }
0x177: {  	[tilespmem:s16], [sflag:$0x4] =	stream.indirect.gather @!p2 [spmem:s5], $0x1, s0, s0, $0xb8;
	[tilespmem:$0x15C80] =	vst v63  }
0x178: {  	s16 =	simm.s32 @!p2 $0x700  }
0x179: {  	[tilespmem:s16], [sflag:$0x4] =	stream.indirect.gather @!p2 [spmem:s6], $0x1, s0, s0, $0xb8;
	[tilespmem:$0x15C80] =	vst v63  }
0x17a: {  	s16 =	simm.s32 @!p2 $0x780  }
0x17b: {  	[tilespmem:s16], [sflag:$0x4] =	stream.indirect.gather @!p2 [spmem:s7], $0x1, s0, s0, $0xb8;
	[tilespmem:$0x15C80] =	vst v63  }
0x17c: {  	s16 =	simm.s32 @!p2 $0x800  }
0x17d: {  	[tilespmem:s16], [sflag:$0x4] =	stream.indirect.gather @!p2 [spmem:s8], $0x1, s0, s0, $0xb8;
	[tilespmem:$0x15C80] =	vst v63  }
0x17e: {  	s16 =	simm.s32 @!p2 $0x880  }
0x17f: {  	[tilespmem:s16], [sflag:$0x4] =	stream.indirect.gather @!p2 [spmem:s9], $0x1, s0, s0, $0xb8;
	[tilespmem:$0x15C80] =	vst v63  }
0x180: {  	_ =	swait.ge [sflag:s26], $0x4000  }
0x181: {  	[sflag:s26] =	ssyncset.done $0x0  }
0x182: {  	[sflag:s26] =	ssyncadd.s32 $0xFFFFC000  }
0x183: {  	s29 =	sadd.s32 $0x1, s29;
	s24 =	sshll.u32 s1, $0x4;
	s25 =	rddreg [dreg:$0x1]  }
0x184: {  	p2 =	sne.s32 s29, $0x19;
	s1 =	sadd.s32 s25, s24  }
0x185: {  	[hbm4b:s1+s12] =	stream.linear.scatter [tilespmem:s20], [sflag:$0x7], $0x4000, $0x38;
	[tilespmem:$0x15C80] =	vst v63  }
.Ltmp4:
0x186: {  	_ = 	snop;
	(pc) =	sbr.rel @p2 .LBB2_5-.Ltmp4, $4  }
0x187: {  	_ =	swait.ge [sflag:s31], $0x4000  }
0x188: {  	[sflag:s31] =	ssyncset.done $0x0  }
0x189: {  	s0 =	sadd.s32 s24, s28;
	[sflag:s31] =	ssyncadd.s32 $0xFFFFC000  }
0x18a: {  	[hbm4b:s0+s12] =	stream.linear.scatter [tilespmem:s10], [sflag:$0x8], $0x4000, $0x38;
	[tilespmem:$0x15C80] =	vst v63  }
0x18b: {  	s0 =	simm.s32 $0x7  }
0x18c: {  	_ =	swait.ge [sflag:s0], $0x4000  }
0x18d: {  	[sflag:s0] =	ssyncset.done $0x0  }
0x18e: {  	s1 =	simm.s32 $0x8;
	[sflag:s0] =	ssyncadd.s32 $0xFFFFC000  }
0x18f: {  	_ =	swait.ge [sflag:s1], $0x4000  }
0x190: {  	s16 =	sld [smem:$0x7E0];
	_ =	sdelay $0x2  }
0x191: {  	s29 =	rddreg [dreg:$0x1e];
	s16 =	sadd.s32 $0x1, s16  }
0x192: {  	p2 =	sne.s32 s16, s29  }
.Ltmp5:
0x193: {  	_ = 	snop;
	(pc) =	sbr.rel @p2 .LBB2_1-.Ltmp5, $3  }
0x194: {  	_ =	sdelay $0x1  }
0x195: {  	[sflag:s1] =	ssyncset.done $0x0  }
0x196: {  	[sflag:s1] =	ssyncadd.s32 $0xFFFFC000  }
0x197: {  	_ =	sfence.sel $0x180000  }
0x198: {  	[bflag:$0x0] =	sbarrier.arrive $0xFFFF  }
0x199: {  	_ =	strace $0x90000047  }
0x19a: {  	s0 =	stileid.u32;
	[bflag:$0x2] =	sbarrier.arrive $0xFFFF  }
0x19b: {  	p0 =	sne.s32 s0, $0x0;
	s0 =	rddreg [dreg:$0xb]  }
0x19c: {  	s0 =	sadd.s32 @!p0 $0x100000, s0  }
0x19d: {  	[sflag:s0] =	ssyncadd.tile.s32 @!p0 $0x1;
	_ =	shalt  }
.Lfunc_end2:
_tile_overlayer_lowered:
.L_overlay_start_2:
0x19e: {  	(tag) =	ssettag $0x2  }
0x19f: {  	s0 =	rddreg [dreg:$0x0];
	s2 =	stileid.u32  }
0x1a0: {  	s1 =	rddreg [dreg:$0x1];
	p0 =	sne.s32 s2, $0x0  }
0x1a1: {  	s3 =	rddreg [dreg:$0x2];
	[bflag:$0x3] =	sbarrier.arrive $0xFFFF;
	s2 =	simm.s32 @!p0 $0x1C09  }
0x1a2: {  	[timem:s3], [sflag:s2] =	dma.local @!p0 [hbm:s0], s1  }
0x1a3: {  	s0 =	simm.s32 @!p0 $0x9  }
0x1a4: {  	_ =	swait.ge @!p0 [sflag:s0], s1  }
0x1a5: {  	s1 =	ssub.s32 @!p0 $0x0, s1;
	[sflag:s0] =	ssyncset.done @!p0 $0x0  }
0x1a6: {  	[sflag:s0] =	ssyncadd.s32 @!p0 s1  }
0x1a7: {  	[bflag:$0x3] =	sbarrier.arrive $0xFFFF  }
0x1a8: {  	_ =	shalt  }

</sc_bundles>
